<compile_context>
chip_gen: v7x
topology: tpu7x:2x2x1
jax: 0.10.2.dev20260603
libtpu: 0.0.44.dev20260713+nightly
codegen_flags: <defaults>
</compile_context>

<pallas_src>
import functools

import jax
import jax.numpy as jnp
from jax import lax
from jax.experimental import pallas as pl
from jax.experimental.pallas import tpu as pltpu
from jax.experimental.pallas import tpu_sc as plsc

_N = 5000
_B = 128
_NB = 40
_P = _NB * _B
_PHASE = 10
_IOU_T = 0.5


def _nms_kernel(x1c, y1c, x2c, y2c, x1r, y1r, x2r, y2r,
                x1w, y1w, x2w, y2w, keep_out, arear, keeprow):
    keep_out[...] = jnp.zeros((_NB, _B), jnp.float32)
    keeprow[...] = jnp.zeros((1, _P), jnp.float32)
    arear[...] = (x2w[...] - x1w[...]) * (y2w[...] - y1w[...])

    rloc = jax.lax.broadcasted_iota(jnp.int32, (_B, _B), 0)
    cloc = jax.lax.broadcasted_iota(jnp.int32, (_B, _B), 1)

    def block_step(i, strip_len):
        rx1 = x1r[pl.ds(i * _B, _B), :]
        ry1 = y1r[pl.ds(i * _B, _B), :]
        rx2 = x2r[pl.ds(i * _B, _B), :]
        ry2 = y2r[pl.ds(i * _B, _B), :]
        rarea = (rx2 - rx1) * (ry2 - ry1)

        sx1 = x1w[0:1, 0:strip_len]
        sy1 = y1w[0:1, 0:strip_len]
        sx2 = x2w[0:1, 0:strip_len]
        sy2 = y2w[0:1, 0:strip_len]
        sarea = arear[0:1, 0:strip_len]
        jx1 = jnp.maximum(rx1, sx1)
        jy1 = jnp.maximum(ry1, sy1)
        jx2 = jnp.minimum(rx2, sx2)
        jy2 = jnp.minimum(ry2, sy2)
        jw = jnp.maximum(jx2 - jx1, 0.0)
        jh = jnp.maximum(jy2 - jy1, 0.0)
        jinter = jw * jh
        jiou = jinter / (sarea + rarea - jinter + 1e-9)
        over = jiou > _IOU_T

        kmask = jnp.where(over, keeprow[0:1, pl.ds(0, strip_len)], 0.0)
        sup_col = jnp.max(kmask, axis=1, keepdims=True)
        free = jnp.transpose((sup_col == 0.0).astype(jnp.float32), (1, 0))

        bx1 = x1c[pl.ds(i, 1), :]
        by1 = y1c[pl.ds(i, 1), :]
        bx2 = x2c[pl.ds(i, 1), :]
        by2 = y2c[pl.ds(i, 1), :]
        barea = (bx2 - bx1) * (by2 - by1)
        tx1 = jnp.maximum(rx1, bx1)
        ty1 = jnp.maximum(ry1, by1)
        tx2 = jnp.minimum(rx2, bx2)
        ty2 = jnp.minimum(ry2, by2)
        tw = jnp.maximum(tx2 - tx1, 0.0)
        th = jnp.maximum(ty2 - ty1, 0.0)
        tinter = tw * th
        tiou = tinter / (rarea + barea - tinter + 1e-9)
        tf = jnp.where((tiou > _IOU_T) & (rloc < cloc), 1.0, 0.0)

        def fcond(c):
            return c[2]

        def fbody(c):
            k, _, _ = c
            s = jnp.dot(k, tf, preferred_element_type=jnp.float32)
            k2 = free * (s == 0.0).astype(jnp.float32)
            return k2, k, jnp.any(k2 != k)

        k0 = free
        s0 = jnp.dot(k0, tf, preferred_element_type=jnp.float32)
        k1 = free * (s0 == 0.0).astype(jnp.float32)
        k, _, _ = jax.lax.while_loop(fcond, fbody, (k1, k0, jnp.any(k1 != k0)))

        keep_out[pl.ds(i, 1), :] = k
        keeprow[0:1, pl.ds(i * _B, _B)] = k

    for p in range(_NB // _PHASE):
        strip_len = (p + 1) * _PHASE * _B

        def phase_body(i, carry, strip_len=strip_len):
            block_step(i, strip_len)
            return carry

        jax.lax.fori_loop(p * _PHASE, (p + 1) * _PHASE, phase_body, 0,
                          unroll=False)


def kernel(boxes, scores):
    pad = _P - _N
    neg_scores = jnp.concatenate(
        [-scores, jnp.full((pad,), jnp.inf, dtype=jnp.float32)])
    boxes_p = jnp.concatenate(
        [boxes, jnp.zeros((pad, 4), dtype=jnp.float32)], axis=0)
    idx = jnp.arange(_P, dtype=jnp.int32)

    _, sx1, sy1, sx2, sy2, sidx = jax.lax.sort(
        (neg_scores, boxes_p[:, 0], boxes_p[:, 1], boxes_p[:, 2],
         boxes_p[:, 3], idx),
        num_keys=1, is_stable=True)

    comps_c = [c.reshape(_NB, _B) for c in (sx1, sy1, sx2, sy2)]
    comps_r = [c.reshape(_P, 1) for c in (sx1, sy1, sx2, sy2)]
    comps_w = [c.reshape(1, _P) for c in (sx1, sy1, sx2, sy2)]

    keep_sorted = pl.pallas_call(
        _nms_kernel,
        out_shape=jax.ShapeDtypeStruct((_NB, _B), jnp.float32),
        scratch_shapes=[pltpu.VMEM((1, _P), jnp.float32),
                        pltpu.VMEM((1, _P), jnp.float32)],
    )(*comps_c, *comps_r, *comps_w)

    keep_f = _sc_unsort(keep_sorted.reshape(_P), sidx)
    keep = (keep_f > 0.0)[:_N]
    masked = scores * keep.astype(scores.dtype)
    return masked, keep


_SC_NW = 32
_SC_CHUNK = _P // _SC_NW


def _sc_unsort_kernel(vals_hbm, idx_hbm, out_hbm, idx_v, val_v, sem):
    wid = lax.axis_index("s") * 2 + lax.axis_index("c")
    base = wid * _SC_CHUNK
    pltpu.sync_copy(idx_hbm.at[pl.ds(base, _SC_CHUNK)], idx_v)
    pltpu.sync_copy(vals_hbm.at[pl.ds(base, _SC_CHUNK)], val_v)
    pltpu.async_copy(val_v, out_hbm.at[idx_v], sem).wait()


def _sc_unsort(vals, idx):
    mesh = plsc.VectorSubcoreMesh(core_axis_name="c", subcore_axis_name="s")
    return functools.partial(
        pl.kernel, mesh=mesh,
        out_type=jax.ShapeDtypeStruct((_P,), jnp.float32),
        scratch_types=[
            pltpu.VMEM((_SC_CHUNK,), jnp.int32),
            pltpu.VMEM((_SC_CHUNK,), jnp.float32),
            pltpu.SemaphoreType.DMA,
        ],
    )(_sc_unsort_kernel)(vals, idx)

# --- scband reference (transcript-rebuilt; emitter-appended) ---
"""Pipeline reference for scband-3-dcar-roiheads-80745385165041 (READ-ONLY COPY).

The authoritative reference and input builder live on the scoring server;
editing this copy changes nothing except your own understanding.
"""

import jax, jax.numpy as jnp
import numpy as np

N = 5000
IOU_THRESH = 0.5


def setup_inputs(seed: int = 0) -> dict:
    key = jax.random.key(seed)
    k1, k2, k3 = jax.random.split(key, 3)
    cxcy = jax.random.uniform(k1, (N, 2), minval=0.0, maxval=512.0)
    wh = jax.random.uniform(k2, (N, 2), minval=4.0, maxval=96.0)
    boxes = jnp.concatenate([cxcy - wh / 2.0, cxcy + wh / 2.0], axis=1).astype(jnp.float32)
    scores = jax.random.uniform(k3, (N,), minval=0.0, maxval=1.0, dtype=jnp.float32)
    return {"boxes": boxes, "scores": scores}


def _pairwise_iou(b):
    area = (b[:, 2] - b[:, 0]) * (b[:, 3] - b[:, 1])
    x1 = jnp.maximum(b[:, None, 0], b[None, :, 0])
    y1 = jnp.maximum(b[:, None, 1], b[None, :, 1])
    x2 = jnp.minimum(b[:, None, 2], b[None, :, 2])
    y2 = jnp.minimum(b[:, None, 3], b[None, :, 3])
    w = jnp.maximum(x2 - x1, 0.0)
    h = jnp.maximum(y2 - y1, 0.0)
    inter = w * h
    return inter / (area[:, None] + area[None, :] - inter + 1e-9)


def _nms_keep(boxes, scores, iou_thresh):
    n = scores.shape[0]
    order = jnp.argsort(-scores)
    b = boxes[order]
    iou = _pairwise_iou(b)
    idx = jnp.arange(n)

    def body(i, keep):
        sup = jnp.any((iou[:, i] > iou_thresh) & keep & (idx < i))
        return keep.at[i].set(jnp.logical_not(sup))

    keep_sorted = jax.lax.fori_loop(0, n, body, jnp.zeros((n,), dtype=bool))
    keep = jnp.zeros((n,), dtype=bool).at[order].set(keep_sorted)
    return keep


def reference(boxes, scores):
    # Greedy NMS over per-image proposals (the box-filtering core of
    # ROIHeads proposal selection): sort by score, compute pairwise IoU,
    # suppress any box overlapping a higher-scoring kept box.
    keep = _nms_keep(boxes, scores, IOU_THRESH)
    masked_scores = scores * keep.astype(scores.dtype)
    return masked_scores, keep

if __name__ == "__main__":
    import jax
    _d = setup_inputs()
    print(jax.jit(kernel)(*tuple(_d.values())))

</pallas_src>

<mosaic_0001>
#map = affine_map<(d0, d1) -> (0)>
module attributes {stable_mosaic.version = 14 : i64} {
  func.func @_sc_unsort_kernel(%arg0: i32, %arg1: i32, %arg2: memref<5120xf32, #tpu.memory_space<hbm>>, %arg3: memref<5120xi32, #tpu.memory_space<hbm>>, %arg4: memref<5120xf32, #tpu.memory_space<hbm>>, %arg5: memref<160xi32, #tpu.memory_space<vmem>>, %arg6: memref<160xf32, #tpu.memory_space<vmem>>, %arg7: memref<!tpu.dma_semaphore, #tpu.memory_space<semaphore_mem>>) attributes {dimension_semantics = [#tpu.dimension_semantics<core_parallel>, #tpu.dimension_semantics<subcore_parallel>], iteration_bounds = array<i64: 2, 16>, scalar_prefetch = 0 : i64, scratch_operands = 3 : i64, tpu.core_type = #tpu.core_type<sc_vector_subcore>, window_params = [{transform_indices = #map}, {transform_indices = #map}, {transform_indices = #map}]} {
    %mul3A = arith.constant 2 : i32
    %mul3A_0 = arith.muli %arg1, %mul3A : i32
    %add3A = arith.addi %mul3A_0, %arg0 : i32
    %mul3A_1 = arith.constant 160 : i32
    %mul3A_2 = arith.muli %add3A, %mul3A_1 : i32
    "tpu.region"() ({
      %run_scoped3A = tpu.sem_alloc : memref<!tpu.dma_semaphore, #tpu.memory_space<semaphore_mem>>
      %dma_start3A_5 = tpu.memref_slice %arg3[%mul3A_2] : memref<5120xi32, #tpu.memory_space<hbm>> -> memref<160xi32, #tpu.memory_space<hbm>>
      %dma_start3A_6 = tpu.memref_slice %arg3[%mul3A_2] : memref<5120xi32, #tpu.memory_space<hbm>> -> memref<160xi32, #tpu.memory_space<hbm>>
      tpu.enqueue_dma source(%dma_start3A_6 : memref<160xi32, #tpu.memory_space<hbm>>) target(%arg5 : memref<160xi32, #tpu.memory_space<vmem>>) target_semaphore(%run_scoped3A : memref<!tpu.dma_semaphore, #tpu.memory_space<semaphore_mem>>)
      %dma_wait3A_7 = tpu.memref_slice %arg3[%mul3A_2] : memref<5120xi32, #tpu.memory_space<hbm>> -> memref<160xi32, #tpu.memory_space<hbm>>
      %dma_wait3A_8 = tpu.memref_slice %arg3[%mul3A_2] : memref<5120xi32, #tpu.memory_space<hbm>> -> memref<160xi32, #tpu.memory_space<hbm>>
      tpu.wait_dma2 semaphore(%run_scoped3A : memref<!tpu.dma_semaphore, #tpu.memory_space<semaphore_mem>>) src(%dma_wait3A_8 : memref<160xi32, #tpu.memory_space<hbm>>) dst(%arg5 : memref<160xi32, #tpu.memory_space<vmem>>)
      tpu.yield
    }) : () -> ()
    "tpu.region"() ({
      %run_scoped3A = tpu.sem_alloc : memref<!tpu.dma_semaphore, #tpu.memory_space<semaphore_mem>>
      %dma_start3A_5 = tpu.memref_slice %arg2[%mul3A_2] : memref<5120xf32, #tpu.memory_space<hbm>> -> memref<160xf32, #tpu.memory_space<hbm>>
      %dma_start3A_6 = tpu.memref_slice %arg2[%mul3A_2] : memref<5120xf32, #tpu.memory_space<hbm>> -> memref<160xf32, #tpu.memory_space<hbm>>
      tpu.enqueue_dma source(%dma_start3A_6 : memref<160xf32, #tpu.memory_space<hbm>>) target(%arg6 : memref<160xf32, #tpu.memory_space<vmem>>) target_semaphore(%run_scoped3A : memref<!tpu.dma_semaphore, #tpu.memory_space<semaphore_mem>>)
      %dma_wait3A_7 = tpu.memref_slice %arg2[%mul3A_2] : memref<5120xf32, #tpu.memory_space<hbm>> -> memref<160xf32, #tpu.memory_space<hbm>>
      %dma_wait3A_8 = tpu.memref_slice %arg2[%mul3A_2] : memref<5120xf32, #tpu.memory_space<hbm>> -> memref<160xf32, #tpu.memory_space<hbm>>
      tpu.wait_dma2 semaphore(%run_scoped3A : memref<!tpu.dma_semaphore, #tpu.memory_space<semaphore_mem>>) src(%dma_wait3A_8 : memref<160xf32, #tpu.memory_space<hbm>>) dst(%arg6 : memref<160xf32, #tpu.memory_space<vmem>>)
      tpu.yield
    }) : () -> ()
    %dma_start3A = arith.constant 0 : i32
    %dma_start3A_3 = tpu.memref_slice %arg4[%dma_start3A] : memref<5120xf32, #tpu.memory_space<hbm>> -> memref<5120xf32, #tpu.memory_space<hbm>>
    tpu.enqueue_indirect_dma source(%arg6 : memref<160xf32, #tpu.memory_space<vmem>>) target(%dma_start3A_3 : memref<5120xf32, #tpu.memory_space<hbm>>) offsets(%arg5 : memref<160xi32, #tpu.memory_space<vmem>>) semaphore(%arg7 : memref<!tpu.dma_semaphore, #tpu.memory_space<semaphore_mem>>)
    %dma_wait3A = arith.constant 0 : i32
    %dma_wait3A_4 = tpu.memref_slice %arg4[%dma_wait3A] : memref<5120xf32, #tpu.memory_space<hbm>> -> memref<5120xf32, #tpu.memory_space<hbm>>
    tpu.wait_indirect_dma semaphore(%arg7 : memref<!tpu.dma_semaphore, #tpu.memory_space<semaphore_mem>>) src(%arg6 : memref<160xf32, #tpu.memory_space<vmem>>) dst(%dma_wait3A_4 : memref<5120xf32, #tpu.memory_space<hbm>>)
    return
  }
}

module attributes {stable_mosaic.version = 14 : i64} {
  func.func @_nms_kernel(%arg0: memref<40x128xf32, #tpu.memory_space<vmem>>, %arg1: memref<40x128xf32, #tpu.memory_space<vmem>>, %arg2: memref<40x128xf32, #tpu.memory_space<vmem>>, %arg3: memref<40x128xf32, #tpu.memory_space<vmem>>, %arg4: memref<5120x1xf32, #tpu.memory_space<vmem>>, %arg5: memref<5120x1xf32, #tpu.memory_space<vmem>>, %arg6: memref<5120x1xf32, #tpu.memory_space<vmem>>, %arg7: memref<5120x1xf32, #tpu.memory_space<vmem>>, %arg8: memref<1x5120xf32, #tpu.memory_space<vmem>>, %arg9: memref<1x5120xf32, #tpu.memory_space<vmem>>, %arg10: memref<1x5120xf32, #tpu.memory_space<vmem>>, %arg11: memref<1x5120xf32, #tpu.memory_space<vmem>>, %arg12: memref<40x128xf32, #tpu.memory_space<vmem>>, %arg13: memref<1x5120xf32, #tpu.memory_space<vmem>>, %arg14: memref<1x5120xf32, #tpu.memory_space<vmem>>) attributes {dimension_semantics = [], scalar_prefetch = 0 : i64, scratch_operands = 2 : i64, tpu.core_type = #tpu.core_type<tc>} {
    %broadcast_in_dim3A = arith.constant 0.000000e+00 : f32
    %broadcast_in_dim3A_0 = vector.broadcast %broadcast_in_dim3A : f32 to vector<40x128xf32>
    %swap3A = arith.constant 0 : index
    %swap3A_1 = arith.constant 0 : index
    %swap3A_2 = vector.load %arg12[%swap3A, %swap3A_1] : memref<40x128xf32, #tpu.memory_space<vmem>>, vector<40x128xf32>
    tpu.vector_store %arg12[%swap3A, %swap3A_1], %broadcast_in_dim3A_0 {strides = array<i32>} : memref<40x128xf32, #tpu.memory_space<vmem>>, vector<40x128xf32>,
    %broadcast_in_dim3A_3 = arith.constant 0.000000e+00 : f32
    %broadcast_in_dim3A_4 = vector.broadcast %broadcast_in_dim3A_3 : f32 to vector<1x5120xf32>
    %swap3A_5 = arith.constant 0 : index
    %swap3A_6 = arith.constant 0 : index
    %swap3A_7 = vector.load %arg14[%swap3A_5, %swap3A_6] : memref<1x5120xf32, #tpu.memory_space<vmem>>, vector<1x5120xf32>
    tpu.vector_store %arg14[%swap3A_5, %swap3A_6], %broadcast_in_dim3A_4 {strides = array<i32>} : memref<1x5120xf32, #tpu.memory_space<vmem>>, vector<1x5120xf32>,
    %get3A = arith.constant 0 : index
    %get3A_8 = arith.constant 0 : index
    %get3A_9 = vector.load %arg10[%get3A, %get3A_8] : memref<1x5120xf32, #tpu.memory_space<vmem>>, vector<1x5120xf32>
    %get3A_10 = arith.constant 0 : index
    %get3A_11 = arith.constant 0 : index
    %get3A_12 = vector.load %arg8[%get3A_10, %get3A_11] : memref<1x5120xf32, #tpu.memory_space<vmem>>, vector<1x5120xf32>
    %sub3A = arith.subf %get3A_9, %get3A_12 : vector<1x5120xf32>
    %get3A_13 = arith.constant 0 : index
    %get3A_14 = arith.constant 0 : index
    %get3A_15 = vector.load %arg11[%get3A_13, %get3A_14] : memref<1x5120xf32, #tpu.memory_space<vmem>>, vector<1x5120xf32>
    %get3A_16 = arith.constant 0 : index
    %get3A_17 = arith.constant 0 : index
    %get3A_18 = vector.load %arg9[%get3A_16, %get3A_17] : memref<1x5120xf32, #tpu.memory_space<vmem>>, vector<1x5120xf32>
    %sub3A_19 = arith.subf %get3A_15, %get3A_18 : vector<1x5120xf32>
    %mul3A = arith.mulf %sub3A, %sub3A_19 : vector<1x5120xf32>
    %swap3A_20 = arith.constant 0 : index
    %swap3A_21 = arith.constant 0 : index
    %swap3A_22 = vector.load %arg13[%swap3A_20, %swap3A_21] : memref<1x5120xf32, #tpu.memory_space<vmem>>, vector<1x5120xf32>
    tpu.vector_store %arg13[%swap3A_20, %swap3A_21], %mul3A {strides = array<i32>} : memref<1x5120xf32, #tpu.memory_space<vmem>>, vector<1x5120xf32>,
    %iota3A = tpu.iota {dimensions = array<i32: 0>} : vector<128x128xi32>
    %iota3A_23 = tpu.iota {dimensions = array<i32: 1>} : vector<128x128xi32>
    %scan3A = arith.constant 0 : i32
    %scan3A_24 = arith.constant 10 : i32
    %scan3A_25 = arith.addi %scan3A, %scan3A_24 : i32
    %scan3A_26 = arith.constant 1 : i32
    scf.for %scan3A_43 = %scan3A to %scan3A_25 step %scan3A_26  : i32 {
      %mul3A_44 = arith.constant 128 : i32
      %mul3A_45 = arith.muli %scan3A_43, %mul3A_44 : i32
      %get3A_46 = arith.index_cast %mul3A_45 : i32 to index
      %get3A_47 = arith.constant 0 : index
      %get3A_48 = vector.load %arg4[%get3A_46, %get3A_47] : memref<5120x1xf32, #tpu.memory_space<vmem>>, vector<128x1xf32>
      %mul3A_49 = arith.constant 128 : i32
      %mul3A_50 = arith.muli %scan3A_43, %mul3A_49 : i32
      %get3A_51 = arith.index_cast %mul3A_50 : i32 to index
      %get3A_52 = arith.constant 0 : index
      %get3A_53 = vector.load %arg5[%get3A_51, %get3A_52] : memref<5120x1xf32, #tpu.memory_space<vmem>>, vector<128x1xf32>
      %mul3A_54 = arith.constant 128 : i32
      %mul3A_55 = arith.muli %scan3A_43, %mul3A_54 : i32
      %get3A_56 = arith.index_cast %mul3A_55 : i32 to index
      %get3A_57 = arith.constant 0 : index
      %get3A_58 = vector.load %arg6[%get3A_56, %get3A_57] : memref<5120x1xf32, #tpu.memory_space<vmem>>, vector<128x1xf32>
      %mul3A_59 = arith.constant 128 : i32
      %mul3A_60 = arith.muli %scan3A_43, %mul3A_59 : i32
      %get3A_61 = arith.index_cast %mul3A_60 : i32 to index
      %get3A_62 = arith.constant 0 : index
      %get3A_63 = vector.load %arg7[%get3A_61, %get3A_62] : memref<5120x1xf32, #tpu.memory_space<vmem>>, vector<128x1xf32>
      %sub3A_64 = arith.subf %get3A_58, %get3A_48 : vector<128x1xf32>
      %sub3A_65 = arith.subf %get3A_63, %get3A_53 : vector<128x1xf32>
      %mul3A_66 = arith.mulf %sub3A_64, %sub3A_65 : vector<128x1xf32>
      %get3A_67 = arith.constant 0 : index
      %get3A_68 = arith.constant 0 : index
      %get3A_69 = vector.load %arg8[%get3A_67, %get3A_68] : memref<1x5120xf32, #tpu.memory_space<vmem>>, vector<1x1280xf32>
      %get3A_70 = arith.constant 0 : index
      %get3A_71 = arith.constant 0 : index
      %get3A_72 = vector.load %arg9[%get3A_70, %get3A_71] : memref<1x5120xf32, #tpu.memory_space<vmem>>, vector<1x1280xf32>
      %get3A_73 = arith.constant 0 : index
      %get3A_74 = arith.constant 0 : index
      %get3A_75 = vector.load %arg10[%get3A_73, %get3A_74] : memref<1x5120xf32, #tpu.memory_space<vmem>>, vector<1x1280xf32>
      %get3A_76 = arith.constant 0 : index
      %get3A_77 = arith.constant 0 : index
      %get3A_78 = vector.load %arg11[%get3A_76, %get3A_77] : memref<1x5120xf32, #tpu.memory_space<vmem>>, vector<1x1280xf32>
      %get3A_79 = arith.constant 0 : index
      %get3A_80 = arith.constant 0 : index
      %get3A_81 = vector.load %arg13[%get3A_79, %get3A_80] : memref<1x5120xf32, #tpu.memory_space<vmem>>, vector<1x1280xf32>
      %max3A = vector.broadcast %get3A_48 : vector<128x1xf32> to vector<128x1280xf32>
      %max3A_82 = vector.broadcast %get3A_69 : vector<1x1280xf32> to vector<128x1280xf32>
      %max3A_83 = arith.maximumf %max3A, %max3A_82 : vector<128x1280xf32>
      %max3A_84 = vector.broadcast %get3A_53 : vector<128x1xf32> to vector<128x1280xf32>
      %max3A_85 = vector.broadcast %get3A_72 : vector<1x1280xf32> to vector<128x1280xf32>
      %max3A_86 = arith.maximumf %max3A_84, %max3A_85 : vector<128x1280xf32>
      %min3A = vector.broadcast %get3A_58 : vector<128x1xf32> to vector<128x1280xf32>
      %min3A_87 = vector.broadcast %get3A_75 : vector<1x1280xf32> to vector<128x1280xf32>
      %min3A_88 = arith.minimumf %min3A, %min3A_87 : vector<128x1280xf32>
      %min3A_89 = vector.broadcast %get3A_63 : vector<128x1xf32> to vector<128x1280xf32>
      %min3A_90 = vector.broadcast %get3A_78 : vector<1x1280xf32> to vector<128x1280xf32>
      %min3A_91 = arith.minimumf %min3A_89, %min3A_90 : vector<128x1280xf32>
      %sub3A_92 = arith.subf %min3A_88, %max3A_83 : vector<128x1280xf32>
      %max3A_93 = arith.constant 0.000000e+00 : f32
      %max3A_94 = vector.broadcast %max3A_93 : f32 to vector<128x1280xf32>
      %max3A_95 = arith.maximumf %sub3A_92, %max3A_94 : vector<128x1280xf32>
      %sub3A_96 = arith.subf %min3A_91, %max3A_86 : vector<128x1280xf32>
      %max3A_97 = arith.constant 0.000000e+00 : f32
      %max3A_98 = vector.broadcast %max3A_97 : f32 to vector<128x1280xf32>
      %max3A_99 = arith.maximumf %sub3A_96, %max3A_98 : vector<128x1280xf32>
      %mul3A_100 = arith.mulf %max3A_95, %max3A_99 : vector<128x1280xf32>
      %add3A = vector.broadcast %get3A_81 : vector<1x1280xf32> to vector<128x1280xf32>
      %add3A_101 = vector.broadcast %mul3A_66 : vector<128x1xf32> to vector<128x1280xf32>
      %add3A_102 = arith.addf %add3A, %add3A_101 : vector<128x1280xf32>
      %sub3A_103 = arith.subf %add3A_102, %mul3A_100 : vector<128x1280xf32>
      %add3A_104 = arith.constant 9.99999971E-10 : f32
      %add3A_105 = vector.broadcast %add3A_104 : f32 to vector<128x1280xf32>
      %add3A_106 = arith.addf %sub3A_103, %add3A_105 : vector<128x1280xf32>
      %div3A = arith.divf %mul3A_100, %add3A_106 : vector<128x1280xf32>
      %gt3A = arith.constant 5.000000e-01 : f32
      %gt3A_107 = vector.broadcast %gt3A : f32 to vector<128x1280xf32>
      %gt3A_108 = arith.cmpf ogt, %div3A, %gt3A_107 : vector<128x1280xf32>
      %get3A_109 = arith.constant 0 : index
      %get3A_110 = arith.constant 0 : index
      %get3A_111 = vector.load %arg14[%get3A_109, %get3A_110] : memref<1x5120xf32, #tpu.memory_space<vmem>>, vector<1x1280xf32>
      %jit3A = arith.constant 0.000000e+00 : f32
      %broadcast_in_dim3A_112 = vector.shape_cast %get3A_111 : vector<1x1280xf32> to vector<1x1280xf32>
      %broadcast_in_dim3A_113 = vector.broadcast %broadcast_in_dim3A_112 : vector<1x1280xf32> to vector<128x1280xf32>
      %broadcast_in_dim3A_114 = vector.broadcast %jit3A : f32 to vector<128x1280xf32>
      %select_n3A = arith.select %gt3A_108, %broadcast_in_dim3A_113, %broadcast_in_dim3A_114 : vector<128x1280xi1>, vector<128x1280xf32>
      %reduce_max3A = arith.constant dense<0xFF800000> : vector<128xf32>
      %reduce_max3A_115 = vector.multi_reduction <maximumf>, %select_n3A, %reduce_max3A [1] : vector<128x1280xf32> to vector<128xf32>
      %broadcast_in_dim3A_116 = vector.shape_cast %reduce_max3A_115 : vector<128xf32> to vector<128x1xf32>
      %eq3A = arith.constant 0.000000e+00 : f32
      %eq3A_117 = vector.broadcast %eq3A : f32 to vector<128x1xf32>
      %eq3A_118 = arith.cmpf oeq, %broadcast_in_dim3A_116, %eq3A_117 : vector<128x1xf32>
      %convert_element_type3A = arith.extui %eq3A_118 : vector<128x1xi1> to vector<128x1xi32>
      %convert_element_type3A_119 = arith.sitofp %convert_element_type3A : vector<128x1xi32> to vector<128x1xf32>
      %transpose3A = tpu.transpose %convert_element_type3A_119, [1, 0] : vector<128x1xf32> -> vector<1x128xf32>
      %get3A_120 = arith.index_cast %scan3A_43 : i32 to index
      %get3A_121 = arith.constant 0 : index
      %get3A_122 = vector.load %arg0[%get3A_120, %get3A_121] : memref<40x128xf32, #tpu.memory_space<vmem>>, vector<1x128xf32>
      %get3A_123 = arith.index_cast %scan3A_43 : i32 to index
      %get3A_124 = arith.constant 0 : index
      %get3A_125 = vector.load %arg1[%get3A_123, %get3A_124] : memref<40x128xf32, #tpu.memory_space<vmem>>, vector<1x128xf32>
      %get3A_126 = arith.index_cast %scan3A_43 : i32 to index
      %get3A_127 = arith.constant 0 : index
      %get3A_128 = vector.load %arg2[%get3A_126, %get3A_127] : memref<40x128xf32, #tpu.memory_space<vmem>>, vector<1x128xf32>
      %get3A_129 = arith.index_cast %scan3A_43 : i32 to index
      %get3A_130 = arith.constant 0 : index
      %get3A_131 = vector.load %arg3[%get3A_129, %get3A_130] : memref<40x128xf32, #tpu.memory_space<vmem>>, vector<1x128xf32>
      %sub3A_132 = arith.subf %get3A_128, %get3A_122 : vector<1x128xf32>
      %sub3A_133 = arith.subf %get3A_131, %get3A_125 : vector<1x128xf32>
      %mul3A_134 = arith.mulf %sub3A_132, %sub3A_133 : vector<1x128xf32>
      %max3A_135 = vector.broadcast %get3A_48 : vector<128x1xf32> to vector<128x128xf32>
      %max3A_136 = vector.broadcast %get3A_122 : vector<1x128xf32> to vector<128x128xf32>
      %max3A_137 = arith.maximumf %max3A_135, %max3A_136 : vector<128x128xf32>
      %max3A_138 = vector.broadcast %get3A_53 : vector<128x1xf32> to vector<128x128xf32>
      %max3A_139 = vector.broadcast %get3A_125 : vector<1x128xf32> to vector<128x128xf32>
      %max3A_140 = arith.maximumf %max3A_138, %max3A_139 : vector<128x128xf32>
      %min3A_141 = vector.broadcast %get3A_58 : vector<128x1xf32> to vector<128x128xf32>
      %min3A_142 = vector.broadcast %get3A_128 : vector<1x128xf32> to vector<128x128xf32>
      %min3A_143 = arith.minimumf %min3A_141, %min3A_142 : vector<128x128xf32>
      %min3A_144 = vector.broadcast %get3A_63 : vector<128x1xf32> to vector<128x128xf32>
      %min3A_145 = vector.broadcast %get3A_131 : vector<1x128xf32> to vector<128x128xf32>
      %min3A_146 = arith.minimumf %min3A_144, %min3A_145 : vector<128x128xf32>
      %sub3A_147 = arith.subf %min3A_143, %max3A_137 : vector<128x128xf32>
      %max3A_148 = arith.constant 0.000000e+00 : f32
      %max3A_149 = vector.broadcast %max3A_148 : f32 to vector<128x128xf32>
      %max3A_150 = arith.maximumf %sub3A_147, %max3A_149 : vector<128x128xf32>
      %sub3A_151 = arith.subf %min3A_146, %max3A_140 : vector<128x128xf32>
      %max3A_152 = arith.constant 0.000000e+00 : f32
      %max3A_153 = vector.broadcast %max3A_152 : f32 to vector<128x128xf32>
      %max3A_154 = arith.maximumf %sub3A_151, %max3A_153 : vector<128x128xf32>
      %mul3A_155 = arith.mulf %max3A_150, %max3A_154 : vector<128x128xf32>
      %add3A_156 = vector.broadcast %mul3A_66 : vector<128x1xf32> to vector<128x128xf32>
      %add3A_157 = vector.broadcast %mul3A_134 : vector<1x128xf32> to vector<128x128xf32>
      %add3A_158 = arith.addf %add3A_156, %add3A_157 : vector<128x128xf32>
      %sub3A_159 = arith.subf %add3A_158, %mul3A_155 : vector<128x128xf32>
      %add3A_160 = arith.constant 9.99999971E-10 : f32
      %add3A_161 = vector.broadcast %add3A_160 : f32 to vector<128x128xf32>
      %add3A_162 = arith.addf %sub3A_159, %add3A_161 : vector<128x128xf32>
      %div3A_163 = arith.divf %mul3A_155, %add3A_162 : vector<128x128xf32>
      %gt3A_164 = arith.constant 5.000000e-01 : f32
      %gt3A_165 = vector.broadcast %gt3A_164 : f32 to vector<128x128xf32>
      %gt3A_166 = arith.cmpf ogt, %div3A_163, %gt3A_165 : vector<128x128xf32>
      %lt3A = arith.cmpi slt, %iota3A, %iota3A_23 : vector<128x128xi32>
      %and3A = arith.andi %gt3A_166, %lt3A : vector<128x128xi1>
      %jit3A_167 = arith.constant 1.000000e+00 : f32
      %jit3A_168 = arith.constant 0.000000e+00 : f32
      %broadcast_in_dim3A_169 = vector.broadcast %jit3A_167 : f32 to vector<128x128xf32>
      %broadcast_in_dim3A_170 = vector.broadcast %jit3A_168 : f32 to vector<128x128xf32>
      %select_n3A_171 = arith.select %and3A, %broadcast_in_dim3A_169, %broadcast_in_dim3A_170 : vector<128x128xi1>, vector<128x128xf32>
      %dot_general3A = arith.constant dense<0.000000e+00> : vector<1x128xf32>
      %dot_general3A_172 = tpu.matmul %transpose3A, %select_n3A_171, %dot_general3A {dimension_numbers = #tpu.dot_dimension_numbers<[1], [0], [0], [1], [0, 0, 1, 1], [], []>, transpose_lhs_hint = false} : vector<1x128xf32>, vector<128x128xf32>, vector<1x128xf32> -> vector<1x128xf32>
      %eq3A_173 = arith.constant 0.000000e+00 : f32
      %eq3A_174 = vector.broadcast %eq3A_173 : f32 to vector<1x128xf32>
      %eq3A_175 = arith.cmpf oeq, %dot_general3A_172, %eq3A_174 : vector<1x128xf32>
      %convert_element_type3A_176 = arith.extui %eq3A_175 : vector<1x128xi1> to vector<1x128xi32>
      %convert_element_type3A_177 = arith.sitofp %convert_element_type3A_176 : vector<1x128xi32> to vector<1x128xf32>
      %mul3A_178 = arith.mulf %transpose3A, %convert_element_type3A_177 : vector<1x128xf32>
      %ne3A = arith.cmpf one, %mul3A_178, %transpose3A : vector<1x128xf32>
      %reduce_or3A = arith.constant 1.000000e+00 : f32
      %reduce_or3A_179 = arith.constant 0.000000e+00 : f32
      %reduce_or3A_180 = vector.broadcast %reduce_or3A : f32 to vector<1x128xf32>
      %reduce_or3A_181 = vector.broadcast %reduce_or3A_179 : f32 to vector<1x128xf32>
      %reduce_or3A_182 = arith.select %ne3A, %reduce_or3A_180, %reduce_or3A_181 : vector<1x128xi1>, vector<1x128xf32>
      %reduce_or3A_183 = vector.shape_cast %reduce_or3A_182 : vector<1x128xf32> to vector<1x1x128xf32>
      %reduce_or3A_184 = arith.constant dense<0xFF800000> : vector<1xf32>
      %reduce_or3A_185 = vector.multi_reduction <maximumf>, %reduce_or3A_183, %reduce_or3A_184 [1, 2] : vector<1x1x128xf32> to vector<1xf32>
      %reduce_or3A_186 = vector.shape_cast %reduce_or3A_185 : vector<1xf32> to vector<1x1x1xf32>
      %reduce_or3A_187 = vector.extract %reduce_or3A_186[0, 0, 0] : f32 from vector<1x1x1xf32>
      %reduce_or3A_188 = arith.constant 0.000000e+00 : f32
      %reduce_or3A_189 = arith.cmpf ogt, %reduce_or3A_187, %reduce_or3A_188 : f32
      %while3A:3 = scf.while (%while3A_198 = %mul3A_178, %while3A_199 = %transpose3A, %while3A_200 = %reduce_or3A_189) : (vector<1x128xf32>, vector<1x128xf32>, i1) -> (vector<1x128xf32>, vector<1x128xf32>, i1) {
        scf.condition(%while3A_200) %while3A_198, %while3A_199, %while3A_200 : vector<1x128xf32>, vector<1x128xf32>, i1
      } do {
      ^bb0(%while3A_198: vector<1x128xf32>, %while3A_199: vector<1x128xf32>, %while3A_200: i1):
        %dot_general3A_201 = arith.constant dense<0.000000e+00> : vector<1x128xf32>
        %dot_general3A_202 = tpu.matmul %while3A_198, %select_n3A_171, %dot_general3A_201 {dimension_numbers = #tpu.dot_dimension_numbers<[1], [0], [0], [1], [0, 0, 1, 1], [], []>, transpose_lhs_hint = false} : vector<1x128xf32>, vector<128x128xf32>, vector<1x128xf32> -> vector<1x128xf32>
        %eq3A_203 = arith.constant 0.000000e+00 : f32
        %eq3A_204 = vector.broadcast %eq3A_203 : f32 to vector<1x128xf32>
        %eq3A_205 = arith.cmpf oeq, %dot_general3A_202, %eq3A_204 : vector<1x128xf32>
        %convert_element_type3A_206 = arith.extui %eq3A_205 : vector<1x128xi1> to vector<1x128xi32>
        %convert_element_type3A_207 = arith.sitofp %convert_element_type3A_206 : vector<1x128xi32> to vector<1x128xf32>
        %mul3A_208 = arith.mulf %transpose3A, %convert_element_type3A_207 : vector<1x128xf32>
        %ne3A_209 = arith.cmpf one, %mul3A_208, %while3A_198 : vector<1x128xf32>
        %reduce_or3A_210 = arith.constant 1.000000e+00 : f32
        %reduce_or3A_211 = arith.constant 0.000000e+00 : f32
        %reduce_or3A_212 = vector.broadcast %reduce_or3A_210 : f32 to vector<1x128xf32>
        %reduce_or3A_213 = vector.broadcast %reduce_or3A_211 : f32 to vector<1x128xf32>
        %reduce_or3A_214 = arith.select %ne3A_209, %reduce_or3A_212, %reduce_or3A_213 : vector<1x128xi1>, vector<1x128xf32>
        %reduce_or3A_215 = vector.shape_cast %reduce_or3A_214 : vector<1x128xf32> to vector<1x1x128xf32>
        %reduce_or3A_216 = arith.constant dense<0xFF800000> : vector<1xf32>
        %reduce_or3A_217 = vector.multi_reduction <maximumf>, %reduce_or3A_215, %reduce_or3A_216 [1, 2] : vector<1x1x128xf32> to vector<1xf32>
        %reduce_or3A_218 = vector.shape_cast %reduce_or3A_217 : vector<1xf32> to vector<1x1x1xf32>
        %reduce_or3A_219 = vector.extract %reduce_or3A_218[0, 0, 0] : f32 from vector<1x1x1xf32>
        %reduce_or3A_220 = arith.constant 0.000000e+00 : f32
        %reduce_or3A_221 = arith.cmpf ogt, %reduce_or3A_219, %reduce_or3A_220 : f32
        scf.yield %mul3A_208, %while3A_198, %reduce_or3A_221 : vector<1x128xf32>, vector<1x128xf32>, i1
      }
      %swap3A_190 = arith.index_cast %scan3A_43 : i32 to index
      %swap3A_191 = arith.constant 0 : index
      %swap3A_192 = vector.load %arg12[%swap3A_190, %swap3A_191] : memref<40x128xf32, #tpu.memory_space<vmem>>, vector<1x128xf32>
      tpu.vector_store %arg12[%swap3A_190, %swap3A_191], %while3A#0 {strides = array<i32>} : memref<40x128xf32, #tpu.memory_space<vmem>>, vector<1x128xf32>,
      %mul3A_193 = arith.constant 128 : i32
      %mul3A_194 = arith.muli %scan3A_43, %mul3A_193 : i32
      %swap3A_195 = arith.constant 0 : index
      %swap3A_196 = arith.index_cast %mul3A_194 : i32 to index
      %swap3A_197 = vector.load %arg14[%swap3A_195, %swap3A_196] : memref<1x5120xf32, #tpu.memory_space<vmem>>, vector<1x128xf32>
      tpu.vector_store %arg14[%swap3A_195, %swap3A_196], %while3A#0 {strides = array<i32>} : memref<1x5120xf32, #tpu.memory_space<vmem>>, vector<1x128xf32>,
    }
    %scan3A_27 = arith.constant 10 : i32
    %scan3A_28 = arith.constant 10 : i32
    %scan3A_29 = arith.constant 10 : i32
    %scan3A_30 = arith.addi %scan3A_28, %scan3A_29 : i32
    %scan3A_31 = arith.constant 1 : i32
    scf.for %scan3A_43 = %scan3A_28 to %scan3A_30 step %scan3A_31  : i32 {
      %mul3A_44 = arith.constant 128 : i32
      %mul3A_45 = arith.muli %scan3A_43, %mul3A_44 : i32
      %get3A_46 = arith.index_cast %mul3A_45 : i32 to index
      %get3A_47 = arith.constant 0 : index
      %get3A_48 = vector.load %arg4[%get3A_46, %get3A_47] : memref<5120x1xf32, #tpu.memory_space<vmem>>, vector<128x1xf32>
      %mul3A_49 = arith.constant 128 : i32
      %mul3A_50 = arith.muli %scan3A_43, %mul3A_49 : i32
      %get3A_51 = arith.index_cast %mul3A_50 : i32 to index
      %get3A_52 = arith.constant 0 : index
      %get3A_53 = vector.load %arg5[%get3A_51, %get3A_52] : memref<5120x1xf32, #tpu.memory_space<vmem>>, vector<128x1xf32>
      %mul3A_54 = arith.constant 128 : i32
      %mul3A_55 = arith.muli %scan3A_43, %mul3A_54 : i32
      %get3A_56 = arith.index_cast %mul3A_55 : i32 to index
      %get3A_57 = arith.constant 0 : index
      %get3A_58 = vector.load %arg6[%get3A_56, %get3A_57] : memref<5120x1xf32, #tpu.memory_space<vmem>>, vector<128x1xf32>
      %mul3A_59 = arith.constant 128 : i32
      %mul3A_60 = arith.muli %scan3A_43, %mul3A_59 : i32
      %get3A_61 = arith.index_cast %mul3A_60 : i32 to index
      %get3A_62 = arith.constant 0 : index
      %get3A_63 = vector.load %arg7[%get3A_61, %get3A_62] : memref<5120x1xf32, #tpu.memory_space<vmem>>, vector<128x1xf32>
      %sub3A_64 = arith.subf %get3A_58, %get3A_48 : vector<128x1xf32>
      %sub3A_65 = arith.subf %get3A_63, %get3A_53 : vector<128x1xf32>
      %mul3A_66 = arith.mulf %sub3A_64, %sub3A_65 : vector<128x1xf32>
      %get3A_67 = arith.constant 0 : index
      %get3A_68 = arith.constant 0 : index
      %get3A_69 = vector.load %arg8[%get3A_67, %get3A_68] : memref<1x5120xf32, #tpu.memory_space<vmem>>, vector<1x2560xf32>
      %get3A_70 = arith.constant 0 : index
      %get3A_71 = arith.constant 0 : index
      %get3A_72 = vector.load %arg9[%get3A_70, %get3A_71] : memref<1x5120xf32, #tpu.memory_space<vmem>>, vector<1x2560xf32>
      %get3A_73 = arith.constant 0 : index
      %get3A_74 = arith.constant 0 : index
      %get3A_75 = vector.load %arg10[%get3A_73, %get3A_74] : memref<1x5120xf32, #tpu.memory_space<vmem>>, vector<1x2560xf32>
      %get3A_76 = arith.constant 0 : index
      %get3A_77 = arith.constant 0 : index
      %get3A_78 = vector.load %arg11[%get3A_76, %get3A_77] : memref<1x5120xf32, #tpu.memory_space<vmem>>, vector<1x2560xf32>
      %get3A_79 = arith.constant 0 : index
      %get3A_80 = arith.constant 0 : index
      %get3A_81 = vector.load %arg13[%get3A_79, %get3A_80] : memref<1x5120xf32, #tpu.memory_space<vmem>>, vector<1x2560xf32>
      %max3A = vector.broadcast %get3A_48 : vector<128x1xf32> to vector<128x2560xf32>
      %max3A_82 = vector.broadcast %get3A_69 : vector<1x2560xf32> to vector<128x2560xf32>
      %max3A_83 = arith.maximumf %max3A, %max3A_82 : vector<128x2560xf32>
      %max3A_84 = vector.broadcast %get3A_53 : vector<128x1xf32> to vector<128x2560xf32>
      %max3A_85 = vector.broadcast %get3A_72 : vector<1x2560xf32> to vector<128x2560xf32>
      %max3A_86 = arith.maximumf %max3A_84, %max3A_85 : vector<128x2560xf32>
      %min3A = vector.broadcast %get3A_58 : vector<128x1xf32> to vector<128x2560xf32>
      %min3A_87 = vector.broadcast %get3A_75 : vector<1x2560xf32> to vector<128x2560xf32>
      %min3A_88 = arith.minimumf %min3A, %min3A_87 : vector<128x2560xf32>
      %min3A_89 = vector.broadcast %get3A_63 : vector<128x1xf32> to vector<128x2560xf32>
      %min3A_90 = vector.broadcast %get3A_78 : vector<1x2560xf32> to vector<128x2560xf32>
      %min3A_91 = arith.minimumf %min3A_89, %min3A_90 : vector<128x2560xf32>
      %sub3A_92 = arith.subf %min3A_88, %max3A_83 : vector<128x2560xf32>
      %max3A_93 = arith.constant 0.000000e+00 : f32
      %max3A_94 = vector.broadcast %max3A_93 : f32 to vector<128x2560xf32>
      %max3A_95 = arith.maximumf %sub3A_92, %max3A_94 : vector<128x2560xf32>
      %sub3A_96 = arith.subf %min3A_91, %max3A_86 : vector<128x2560xf32>
      %max3A_97 = arith.constant 0.000000e+00 : f32
      %max3A_98 = vector.broadcast %max3A_97 : f32 to vector<128x2560xf32>
      %max3A_99 = arith.maximumf %sub3A_96, %max3A_98 : vector<128x2560xf32>
      %mul3A_100 = arith.mulf %max3A_95, %max3A_99 : vector<128x2560xf32>
      %add3A = vector.broadcast %get3A_81 : vector<1x2560xf32> to vector<128x2560xf32>
      %add3A_101 = vector.broadcast %mul3A_66 : vector<128x1xf32> to vector<128x2560xf32>
      %add3A_102 = arith.addf %add3A, %add3A_101 : vector<128x2560xf32>
      %sub3A_103 = arith.subf %add3A_102, %mul3A_100 : vector<128x2560xf32>
      %add3A_104 = arith.constant 9.99999971E-10 : f32
      %add3A_105 = vector.broadcast %add3A_104 : f32 to vector<128x2560xf32>
      %add3A_106 = arith.addf %sub3A_103, %add3A_105 : vector<128x2560xf32>
      %div3A = arith.divf %mul3A_100, %add3A_106 : vector<128x2560xf32>
      %gt3A = arith.constant 5.000000e-01 : f32
      %gt3A_107 = vector.broadcast %gt3A : f32 to vector<128x2560xf32>
      %gt3A_108 = arith.cmpf ogt, %div3A, %gt3A_107 : vector<128x2560xf32>
      %get3A_109 = arith.constant 0 : index
      %get3A_110 = arith.constant 0 : index
      %get3A_111 = vector.load %arg14[%get3A_109, %get3A_110] : memref<1x5120xf32, #tpu.memory_space<vmem>>, vector<1x2560xf32>
      %jit3A = arith.constant 0.000000e+00 : f32
      %broadcast_in_dim3A_112 = vector.shape_cast %get3A_111 : vector<1x2560xf32> to vector<1x2560xf32>
      %broadcast_in_dim3A_113 = vector.broadcast %broadcast_in_dim3A_112 : vector<1x2560xf32> to vector<128x2560xf32>
      %broadcast_in_dim3A_114 = vector.broadcast %jit3A : f32 to vector<128x2560xf32>
      %select_n3A = arith.select %gt3A_108, %broadcast_in_dim3A_113, %broadcast_in_dim3A_114 : vector<128x2560xi1>, vector<128x2560xf32>
      %reduce_max3A = arith.constant dense<0xFF800000> : vector<128xf32>
      %reduce_max3A_115 = vector.multi_reduction <maximumf>, %select_n3A, %reduce_max3A [1] : vector<128x2560xf32> to vector<128xf32>
      %broadcast_in_dim3A_116 = vector.shape_cast %reduce_max3A_115 : vector<128xf32> to vector<128x1xf32>
      %eq3A = arith.constant 0.000000e+00 : f32
      %eq3A_117 = vector.broadcast %eq3A : f32 to vector<128x1xf32>
      %eq3A_118 = arith.cmpf oeq, %broadcast_in_dim3A_116, %eq3A_117 : vector<128x1xf32>
      %convert_element_type3A = arith.extui %eq3A_118 : vector<128x1xi1> to vector<128x1xi32>
      %convert_element_type3A_119 = arith.sitofp %convert_element_type3A : vector<128x1xi32> to vector<128x1xf32>
      %transpose3A = tpu.transpose %convert_element_type3A_119, [1, 0] : vector<128x1xf32> -> vector<1x128xf32>
      %get3A_120 = arith.index_cast %scan3A_43 : i32 to index
      %get3A_121 = arith.constant 0 : index
      %get3A_122 = vector.load %arg0[%get3A_120, %get3A_121] : memref<40x128xf32, #tpu.memory_space<vmem>>, vector<1x128xf32>
      %get3A_123 = arith.index_cast %scan3A_43 : i32 to index
      %get3A_124 = arith.constant 0 : index
      %get3A_125 = vector.load %arg1[%get3A_123, %get3A_124] : memref<40x128xf32, #tpu.memory_space<vmem>>, vector<1x128xf32>
      %get3A_126 = arith.index_cast %scan3A_43 : i32 to index
      %get3A_127 = arith.constant 0 : index
      %get3A_128 = vector.load %arg2[%get3A_126, %get3A_127] : memref<40x128xf32, #tpu.memory_space<vmem>>, vector<1x128xf32>
      %get3A_129 = arith.index_cast %scan3A_43 : i32 to index
      %get3A_130 = arith.constant 0 : index
      %get3A_131 = vector.load %arg3[%get3A_129, %get3A_130] : memref<40x128xf32, #tpu.memory_space<vmem>>, vector<1x128xf32>
      %sub3A_132 = arith.subf %get3A_128, %get3A_122 : vector<1x128xf32>
      %sub3A_133 = arith.subf %get3A_131, %get3A_125 : vector<1x128xf32>
      %mul3A_134 = arith.mulf %sub3A_132, %sub3A_133 : vector<1x128xf32>
      %max3A_135 = vector.broadcast %get3A_48 : vector<128x1xf32> to vector<128x128xf32>
      %max3A_136 = vector.broadcast %get3A_122 : vector<1x128xf32> to vector<128x128xf32>
      %max3A_137 = arith.maximumf %max3A_135, %max3A_136 : vector<128x128xf32>
      %max3A_138 = vector.broadcast %get3A_53 : vector<128x1xf32> to vector<128x128xf32>
      %max3A_139 = vector.broadcast %get3A_125 : vector<1x128xf32> to vector<128x128xf32>
      %max3A_140 = arith.maximumf %max3A_138, %max3A_139 : vector<128x128xf32>
      %min3A_141 = vector.broadcast %get3A_58 : vector<128x1xf32> to vector<128x128xf32>
      %min3A_142 = vector.broadcast %get3A_128 : vector<1x128xf32> to vector<128x128xf32>
      %min3A_143 = arith.minimumf %min3A_141, %min3A_142 : vector<128x128xf32>
      %min3A_144 = vector.broadcast %get3A_63 : vector<128x1xf32> to vector<128x128xf32>
      %min3A_145 = vector.broadcast %get3A_131 : vector<1x128xf32> to vector<128x128xf32>
      %min3A_146 = arith.minimumf %min3A_144, %min3A_145 : vector<128x128xf32>
      %sub3A_147 = arith.subf %min3A_143, %max3A_137 : vector<128x128xf32>
      %max3A_148 = arith.constant 0.000000e+00 : f32
      %max3A_149 = vector.broadcast %max3A_148 : f32 to vector<128x128xf32>
      %max3A_150 = arith.maximumf %sub3A_147, %max3A_149 : vector<128x128xf32>
      %sub3A_151 = arith.subf %min3A_146, %max3A_140 : vector<128x128xf32>
      %max3A_152 = arith.constant 0.000000e+00 : f32
      %max3A_153 = vector.broadcast %max3A_152 : f32 to vector<128x128xf32>
      %max3A_154 = arith.maximumf %sub3A_151, %max3A_153 : vector<128x128xf32>
      %mul3A_155 = arith.mulf %max3A_150, %max3A_154 : vector<128x128xf32>
      %add3A_156 = vector.broadcast %mul3A_66 : vector<128x1xf32> to vector<128x128xf32>
      %add3A_157 = vector.broadcast %mul3A_134 : vector<1x128xf32> to vector<128x128xf32>
      %add3A_158 = arith.addf %add3A_156, %add3A_157 : vector<128x128xf32>
      %sub3A_159 = arith.subf %add3A_158, %mul3A_155 : vector<128x128xf32>
      %add3A_160 = arith.constant 9.99999971E-10 : f32
      %add3A_161 = vector.broadcast %add3A_160 : f32 to vector<128x128xf32>
      %add3A_162 = arith.addf %sub3A_159, %add3A_161 : vector<128x128xf32>
      %div3A_163 = arith.divf %mul3A_155, %add3A_162 : vector<128x128xf32>
      %gt3A_164 = arith.constant 5.000000e-01 : f32
      %gt3A_165 = vector.broadcast %gt3A_164 : f32 to vector<128x128xf32>
      %gt3A_166 = arith.cmpf ogt, %div3A_163, %gt3A_165 : vector<128x128xf32>
      %lt3A = arith.cmpi slt, %iota3A, %iota3A_23 : vector<128x128xi32>
      %and3A = arith.andi %gt3A_166, %lt3A : vector<128x128xi1>
      %jit3A_167 = arith.constant 1.000000e+00 : f32
      %jit3A_168 = arith.constant 0.000000e+00 : f32
      %broadcast_in_dim3A_169 = vector.broadcast %jit3A_167 : f32 to vector<128x128xf32>
      %broadcast_in_dim3A_170 = vector.broadcast %jit3A_168 : f32 to vector<128x128xf32>
      %select_n3A_171 = arith.select %and3A, %broadcast_in_dim3A_169, %broadcast_in_dim3A_170 : vector<128x128xi1>, vector<128x128xf32>
      %dot_general3A = arith.constant dense<0.000000e+00> : vector<1x128xf32>
      %dot_general3A_172 = tpu.matmul %transpose3A, %select_n3A_171, %dot_general3A {dimension_numbers = #tpu.dot_dimension_numbers<[1], [0], [0], [1], [0, 0, 1, 1], [], []>, transpose_lhs_hint = false} : vector<1x128xf32>, vector<128x128xf32>, vector<1x128xf32> -> vector<1x128xf32>
      %eq3A_173 = arith.constant 0.000000e+00 : f32
      %eq3A_174 = vector.broadcast %eq3A_173 : f32 to vector<1x128xf32>
      %eq3A_175 = arith.cmpf oeq, %dot_general3A_172, %eq3A_174 : vector<1x128xf32>
      %convert_element_type3A_176 = arith.extui %eq3A_175 : vector<1x128xi1> to vector<1x128xi32>
      %convert_element_type3A_177 = arith.sitofp %convert_element_type3A_176 : vector<1x128xi32> to vector<1x128xf32>
      %mul3A_178 = arith.mulf %transpose3A, %convert_element_type3A_177 : vector<1x128xf32>
      %ne3A = arith.cmpf one, %mul3A_178, %transpose3A : vector<1x128xf32>
      %reduce_or3A = arith.constant 1.000000e+00 : f32
      %reduce_or3A_179 = arith.constant 0.000000e+00 : f32
      %reduce_or3A_180 = vector.broadcast %reduce_or3A : f32 to vector<1x128xf32>
      %reduce_or3A_181 = vector.broadcast %reduce_or3A_179 : f32 to vector<1x128xf32>
      %reduce_or3A_182 = arith.select %ne3A, %reduce_or3A_180, %reduce_or3A_181 : vector<1x128xi1>, vector<1x128xf32>
      %reduce_or3A_183 = vector.shape_cast %reduce_or3A_182 : vector<1x128xf32> to vector<1x1x128xf32>
      %reduce_or3A_184 = arith.constant dense<0xFF800000> : vector<1xf32>
      %reduce_or3A_185 = vector.multi_reduction <maximumf>, %reduce_or3A_183, %reduce_or3A_184 [1, 2] : vector<1x1x128xf32> to vector<1xf32>
      %reduce_or3A_186 = vector.shape_cast %reduce_or3A_185 : vector<1xf32> to vector<1x1x1xf32>
      %reduce_or3A_187 = vector.extract %reduce_or3A_186[0, 0, 0] : f32 from vector<1x1x1xf32>
      %reduce_or3A_188 = arith.constant 0.000000e+00 : f32
      %reduce_or3A_189 = arith.cmpf ogt, %reduce_or3A_187, %reduce_or3A_188 : f32
      %while3A:3 = scf.while (%while3A_198 = %mul3A_178, %while3A_199 = %transpose3A, %while3A_200 = %reduce_or3A_189) : (vector<1x128xf32>, vector<1x128xf32>, i1) -> (vector<1x128xf32>, vector<1x128xf32>, i1) {
        scf.condition(%while3A_200) %while3A_198, %while3A_199, %while3A_200 : vector<1x128xf32>, vector<1x128xf32>, i1
      } do {
      ^bb0(%while3A_198: vector<1x128xf32>, %while3A_199: vector<1x128xf32>, %while3A_200: i1):
        %dot_general3A_201 = arith.constant dense<0.000000e+00> : vector<1x128xf32>
        %dot_general3A_202 = tpu.matmul %while3A_198, %select_n3A_171, %dot_general3A_201 {dimension_numbers = #tpu.dot_dimension_numbers<[1], [0], [0], [1], [0, 0, 1, 1], [], []>, transpose_lhs_hint = false} : vector<1x128xf32>, vector<128x128xf32>, vector<1x128xf32> -> vector<1x128xf32>
        %eq3A_203 = arith.constant 0.000000e+00 : f32
        %eq3A_204 = vector.broadcast %eq3A_203 : f32 to vector<1x128xf32>
        %eq3A_205 = arith.cmpf oeq, %dot_general3A_202, %eq3A_204 : vector<1x128xf32>
        %convert_element_type3A_206 = arith.extui %eq3A_205 : vector<1x128xi1> to vector<1x128xi32>
        %convert_element_type3A_207 = arith.sitofp %convert_element_type3A_206 : vector<1x128xi32> to vector<1x128xf32>
        %mul3A_208 = arith.mulf %transpose3A, %convert_element_type3A_207 : vector<1x128xf32>
        %ne3A_209 = arith.cmpf one, %mul3A_208, %while3A_198 : vector<1x128xf32>
        %reduce_or3A_210 = arith.constant 1.000000e+00 : f32
        %reduce_or3A_211 = arith.constant 0.000000e+00 : f32
        %reduce_or3A_212 = vector.broadcast %reduce_or3A_210 : f32 to vector<1x128xf32>
        %reduce_or3A_213 = vector.broadcast %reduce_or3A_211 : f32 to vector<1x128xf32>
        %reduce_or3A_214 = arith.select %ne3A_209, %reduce_or3A_212, %reduce_or3A_213 : vector<1x128xi1>, vector<1x128xf32>
        %reduce_or3A_215 = vector.shape_cast %reduce_or3A_214 : vector<1x128xf32> to vector<1x1x128xf32>
        %reduce_or3A_216 = arith.constant dense<0xFF800000> : vector<1xf32>
        %reduce_or3A_217 = vector.multi_reduction <maximumf>, %reduce_or3A_215, %reduce_or3A_216 [1, 2] : vector<1x1x128xf32> to vector<1xf32>
        %reduce_or3A_218 = vector.shape_cast %reduce_or3A_217 : vector<1xf32> to vector<1x1x1xf32>
        %reduce_or3A_219 = vector.extract %reduce_or3A_218[0, 0, 0] : f32 from vector<1x1x1xf32>
        %reduce_or3A_220 = arith.constant 0.000000e+00 : f32
        %reduce_or3A_221 = arith.cmpf ogt, %reduce_or3A_219, %reduce_or3A_220 : f32
        scf.yield %mul3A_208, %while3A_198, %reduce_or3A_221 : vector<1x128xf32>, vector<1x128xf32>, i1
      }
      %swap3A_190 = arith.index_cast %scan3A_43 : i32 to index
      %swap3A_191 = arith.constant 0 : index
      %swap3A_192 = vector.load %arg12[%swap3A_190, %swap3A_191] : memref<40x128xf32, #tpu.memory_space<vmem>>, vector<1x128xf32>
      tpu.vector_store %arg12[%swap3A_190, %swap3A_191], %while3A#0 {strides = array<i32>} : memref<40x128xf32, #tpu.memory_space<vmem>>, vector<1x128xf32>,
      %mul3A_193 = arith.constant 128 : i32
      %mul3A_194 = arith.muli %scan3A_43, %mul3A_193 : i32
      %swap3A_195 = arith.constant 0 : index
      %swap3A_196 = arith.index_cast %mul3A_194 : i32 to index
      %swap3A_197 = vector.load %arg14[%swap3A_195, %swap3A_196] : memref<1x5120xf32, #tpu.memory_space<vmem>>, vector<1x128xf32>
      tpu.vector_store %arg14[%swap3A_195, %swap3A_196], %while3A#0 {strides = array<i32>} : memref<1x5120xf32, #tpu.memory_space<vmem>>, vector<1x128xf32>,
    }
    %scan3A_32 = arith.constant 10 : i32
    %scan3A_33 = arith.constant 20 : i32
    %scan3A_34 = arith.constant 10 : i32
    %scan3A_35 = arith.addi %scan3A_33, %scan3A_34 : i32
    %scan3A_36 = arith.constant 1 : i32
    scf.for %scan3A_43 = %scan3A_33 to %scan3A_35 step %scan3A_36  : i32 {
      %mul3A_44 = arith.constant 128 : i32
      %mul3A_45 = arith.muli %scan3A_43, %mul3A_44 : i32
      %get3A_46 = arith.index_cast %mul3A_45 : i32 to index
      %get3A_47 = arith.constant 0 : index
      %get3A_48 = vector.load %arg4[%get3A_46, %get3A_47] : memref<5120x1xf32, #tpu.memory_space<vmem>>, vector<128x1xf32>
      %mul3A_49 = arith.constant 128 : i32
      %mul3A_50 = arith.muli %scan3A_43, %mul3A_49 : i32
      %get3A_51 = arith.index_cast %mul3A_50 : i32 to index
      %get3A_52 = arith.constant 0 : index
      %get3A_53 = vector.load %arg5[%get3A_51, %get3A_52] : memref<5120x1xf32, #tpu.memory_space<vmem>>, vector<128x1xf32>
      %mul3A_54 = arith.constant 128 : i32
      %mul3A_55 = arith.muli %scan3A_43, %mul3A_54 : i32
      %get3A_56 = arith.index_cast %mul3A_55 : i32 to index
      %get3A_57 = arith.constant 0 : index
      %get3A_58 = vector.load %arg6[%get3A_56, %get3A_57] : memref<5120x1xf32, #tpu.memory_space<vmem>>, vector<128x1xf32>
      %mul3A_59 = arith.constant 128 : i32
      %mul3A_60 = arith.muli %scan3A_43, %mul3A_59 : i32
      %get3A_61 = arith.index_cast %mul3A_60 : i32 to index
      %get3A_62 = arith.constant 0 : index
      %get3A_63 = vector.load %arg7[%get3A_61, %get3A_62] : memref<5120x1xf32, #tpu.memory_space<vmem>>, vector<128x1xf32>
      %sub3A_64 = arith.subf %get3A_58, %get3A_48 : vector<128x1xf32>
      %sub3A_65 = arith.subf %get3A_63, %get3A_53 : vector<128x1xf32>
      %mul3A_66 = arith.mulf %sub3A_64, %sub3A_65 : vector<128x1xf32>
      %get3A_67 = arith.constant 0 : index
      %get3A_68 = arith.constant 0 : index
      %get3A_69 = vector.load %arg8[%get3A_67, %get3A_68] : memref<1x5120xf32, #tpu.memory_space<vmem>>, vector<1x3840xf32>
      %get3A_70 = arith.constant 0 : index
      %get3A_71 = arith.constant 0 : index
      %get3A_72 = vector.load %arg9[%get3A_70, %get3A_71] : memref<1x5120xf32, #tpu.memory_space<vmem>>, vector<1x3840xf32>
      %get3A_73 = arith.constant 0 : index
      %get3A_74 = arith.constant 0 : index
      %get3A_75 = vector.load %arg10[%get3A_73, %get3A_74] : memref<1x5120xf32, #tpu.memory_space<vmem>>, vector<1x3840xf32>
      %get3A_76 = arith.constant 0 : index
      %get3A_77 = arith.constant 0 : index
      %get3A_78 = vector.load %arg11[%get3A_76, %get3A_77] : memref<1x5120xf32, #tpu.memory_space<vmem>>, vector<1x3840xf32>
      %get3A_79 = arith.constant 0 : index
      %get3A_80 = arith.constant 0 : index
      %get3A_81 = vector.load %arg13[%get3A_79, %get3A_80] : memref<1x5120xf32, #tpu.memory_space<vmem>>, vector<1x3840xf32>
      %max3A = vector.broadcast %get3A_48 : vector<128x1xf32> to vector<128x3840xf32>
      %max3A_82 = vector.broadcast %get3A_69 : vector<1x3840xf32> to vector<128x3840xf32>
      %max3A_83 = arith.maximumf %max3A, %max3A_82 : vector<128x3840xf32>
      %max3A_84 = vector.broadcast %get3A_53 : vector<128x1xf32> to vector<128x3840xf32>
      %max3A_85 = vector.broadcast %get3A_72 : vector<1x3840xf32> to vector<128x3840xf32>
      %max3A_86 = arith.maximumf %max3A_84, %max3A_85 : vector<128x3840xf32>
      %min3A = vector.broadcast %get3A_58 : vector<128x1xf32> to vector<128x3840xf32>
      %min3A_87 = vector.broadcast %get3A_75 : vector<1x3840xf32> to vector<128x3840xf32>
      %min3A_88 = arith.minimumf %min3A, %min3A_87 : vector<128x3840xf32>
      %min3A_89 = vector.broadcast %get3A_63 : vector<128x1xf32> to vector<128x3840xf32>
      %min3A_90 = vector.broadcast %get3A_78 : vector<1x3840xf32> to vector<128x3840xf32>
      %min3A_91 = arith.minimumf %min3A_89, %min3A_90 : vector<128x3840xf32>
      %sub3A_92 = arith.subf %min3A_88, %max3A_83 : vector<128x3840xf32>
      %max3A_93 = arith.constant 0.000000e+00 : f32
      %max3A_94 = vector.broadcast %max3A_93 : f32 to vector<128x3840xf32>
      %max3A_95 = arith.maximumf %sub3A_92, %max3A_94 : vector<128x3840xf32>
      %sub3A_96 = arith.subf %min3A_91, %max3A_86 : vector<128x3840xf32>
      %max3A_97 = arith.constant 0.000000e+00 : f32
      %max3A_98 = vector.broadcast %max3A_97 : f32 to vector<128x3840xf32>
      %max3A_99 = arith.maximumf %sub3A_96, %max3A_98 : vector<128x3840xf32>
      %mul3A_100 = arith.mulf %max3A_95, %max3A_99 : vector<128x3840xf32>
      %add3A = vector.broadcast %get3A_81 : vector<1x3840xf32> to vector<128x3840xf32>
      %add3A_101 = vector.broadcast %mul3A_66 : vector<128x1xf32> to vector<128x3840xf32>
      %add3A_102 = arith.addf %add3A, %add3A_101 : vector<128x3840xf32>
      %sub3A_103 = arith.subf %add3A_102, %mul3A_100 : vector<128x3840xf32>
      %add3A_104 = arith.constant 9.99999971E-10 : f32
      %add3A_105 = vector.broadcast %add3A_104 : f32 to vector<128x3840xf32>
      %add3A_106 = arith.addf %sub3A_103, %add3A_105 : vector<128x3840xf32>
      %div3A = arith.divf %mul3A_100, %add3A_106 : vector<128x3840xf32>
      %gt3A = arith.constant 5.000000e-01 : f32
      %gt3A_107 = vector.broadcast %gt3A : f32 to vector<128x3840xf32>
      %gt3A_108 = arith.cmpf ogt, %div3A, %gt3A_107 : vector<128x3840xf32>
      %get3A_109 = arith.constant 0 : index
      %get3A_110 = arith.constant 0 : index
      %get3A_111 = vector.load %arg14[%get3A_109, %get3A_110] : memref<1x5120xf32, #tpu.memory_space<vmem>>, vector<1x3840xf32>
      %jit3A = arith.constant 0.000000e+00 : f32
      %broadcast_in_dim3A_112 = vector.shape_cast %get3A_111 : vector<1x3840xf32> to vector<1x3840xf32>
      %broadcast_in_dim3A_113 = vector.broadcast %broadcast_in_dim3A_112 : vector<1x3840xf32> to vector<128x3840xf32>
      %broadcast_in_dim3A_114 = vector.broadcast %jit3A : f32 to vector<128x3840xf32>
      %select_n3A = arith.select %gt3A_108, %broadcast_in_dim3A_113, %broadcast_in_dim3A_114 : vector<128x3840xi1>, vector<128x3840xf32>
      %reduce_max3A = arith.constant dense<0xFF800000> : vector<128xf32>
      %reduce_max3A_115 = vector.multi_reduction <maximumf>, %select_n3A, %reduce_max3A [1] : vector<128x3840xf32> to vector<128xf32>
      %broadcast_in_dim3A_116 = vector.shape_cast %reduce_max3A_115 : vector<128xf32> to vector<128x1xf32>
      %eq3A = arith.constant 0.000000e+00 : f32
      %eq3A_117 = vector.broadcast %eq3A : f32 to vector<128x1xf32>
      %eq3A_118 = arith.cmpf oeq, %broadcast_in_dim3A_116, %eq3A_117 : vector<128x1xf32>
      %convert_element_type3A = arith.extui %eq3A_118 : vector<128x1xi1> to vector<128x1xi32>
      %convert_element_type3A_119 = arith.sitofp %convert_element_type3A : vector<128x1xi32> to vector<128x1xf32>
      %transpose3A = tpu.transpose %convert_element_type3A_119, [1, 0] : vector<128x1xf32> -> vector<1x128xf32>
      %get3A_120 = arith.index_cast %scan3A_43 : i32 to index
      %get3A_121 = arith.constant 0 : index
      %get3A_122 = vector.load %arg0[%get3A_120, %get3A_121] : memref<40x128xf32, #tpu.memory_space<vmem>>, vector<1x128xf32>
      %get3A_123 = arith.index_cast %scan3A_43 : i32 to index
      %get3A_124 = arith.constant 0 : index
      %get3A_125 = vector.load %arg1[%get3A_123, %get3A_124] : memref<40x128xf32, #tpu.memory_space<vmem>>, vector<1x128xf32>
      %get3A_126 = arith.index_cast %scan3A_43 : i32 to index
      %get3A_127 = arith.constant 0 : index
      %get3A_128 = vector.load %arg2[%get3A_126, %get3A_127] : memref<40x128xf32, #tpu.memory_space<vmem>>, vector<1x128xf32>
      %get3A_129 = arith.index_cast %scan3A_43 : i32 to index
      %get3A_130 = arith.constant 0 : index
      %get3A_131 = vector.load %arg3[%get3A_129, %get3A_130] : memref<40x128xf32, #tpu.memory_space<vmem>>, vector<1x128xf32>
      %sub3A_132 = arith.subf %get3A_128, %get3A_122 : vector<1x128xf32>
      %sub3A_133 = arith.subf %get3A_131, %get3A_125 : vector<1x128xf32>
      %mul3A_134 = arith.mulf %sub3A_132, %sub3A_133 : vector<1x128xf32>
      %max3A_135 = vector.broadcast %get3A_48 : vector<128x1xf32> to vector<128x128xf32>
      %max3A_136 = vector.broadcast %get3A_122 : vector<1x128xf32> to vector<128x128xf32>
      %max3A_137 = arith.maximumf %max3A_135, %max3A_136 : vector<128x128xf32>
      %max3A_138 = vector.broadcast %get3A_53 : vector<128x1xf32> to vector<128x128xf32>
      %max3A_139 = vector.broadcast %get3A_125 : vector<1x128xf32> to vector<128x128xf32>
      %max3A_140 = arith.maximumf %max3A_138, %max3A_139 : vector<128x128xf32>
      %min3A_141 = vector.broadcast %get3A_58 : vector<128x1xf32> to vector<128x128xf32>
      %min3A_142 = vector.broadcast %get3A_128 : vector<1x128xf32> to vector<128x128xf32>
      %min3A_143 = arith.minimumf %min3A_141, %min3A_142 : vector<128x128xf32>
      %min3A_144 = vector.broadcast %get3A_63 : vector<128x1xf32> to vector<128x128xf32>
      %min3A_145 = vector.broadcast %get3A_131 : vector<1x128xf32> to vector<128x128xf32>
      %min3A_146 = arith.minimumf %min3A_144, %min3A_145 : vector<128x128xf32>
      %sub3A_147 = arith.subf %min3A_143, %max3A_137 : vector<128x128xf32>
      %max3A_148 = arith.constant 0.000000e+00 : f32
      %max3A_149 = vector.broadcast %max3A_148 : f32 to vector<128x128xf32>
      %max3A_150 = arith.maximumf %sub3A_147, %max3A_149 : vector<128x128xf32>
      %sub3A_151 = arith.subf %min3A_146, %max3A_140 : vector<128x128xf32>
      %max3A_152 = arith.constant 0.000000e+00 : f32
      %max3A_153 = vector.broadcast %max3A_152 : f32 to vector<128x128xf32>
      %max3A_154 = arith.maximumf %sub3A_151, %max3A_153 : vector<128x128xf32>
      %mul3A_155 = arith.mulf %max3A_150, %max3A_154 : vector<128x128xf32>
      %add3A_156 = vector.broadcast %mul3A_66 : vector<128x1xf32> to vector<128x128xf32>
      %add3A_157 = vector.broadcast %mul3A_134 : vector<1x128xf32> to vector<128x128xf32>
      %add3A_158 = arith.addf %add3A_156, %add3A_157 : vector<128x128xf32>
      %sub3A_159 = arith.subf %add3A_158, %mul3A_155 : vector<128x128xf32>
      %add3A_160 = arith.constant 9.99999971E-10 : f32
      %add3A_161 = vector.broadcast %add3A_160 : f32 to vector<128x128xf32>
      %add3A_162 = arith.addf %sub3A_159, %add3A_161 : vector<128x128xf32>
      %div3A_163 = arith.divf %mul3A_155, %add3A_162 : vector<128x128xf32>
      %gt3A_164 = arith.constant 5.000000e-01 : f32
      %gt3A_165 = vector.broadcast %gt3A_164 : f32 to vector<128x128xf32>
      %gt3A_166 = arith.cmpf ogt, %div3A_163, %gt3A_165 : vector<128x128xf32>
      %lt3A = arith.cmpi slt, %iota3A, %iota3A_23 : vector<128x128xi32>
      %and3A = arith.andi %gt3A_166, %lt3A : vector<128x128xi1>
      %jit3A_167 = arith.constant 1.000000e+00 : f32
      %jit3A_168 = arith.constant 0.000000e+00 : f32
      %broadcast_in_dim3A_169 = vector.broadcast %jit3A_167 : f32 to vector<128x128xf32>
      %broadcast_in_dim3A_170 = vector.broadcast %jit3A_168 : f32 to vector<128x128xf32>
      %select_n3A_171 = arith.select %and3A, %broadcast_in_dim3A_169, %broadcast_in_dim3A_170 : vector<128x128xi1>, vector<128x128xf32>
      %dot_general3A = arith.constant dense<0.000000e+00> : vector<1x128xf32>
      %dot_general3A_172 = tpu.matmul %transpose3A, %select_n3A_171, %dot_general3A {dimension_numbers = #tpu.dot_dimension_numbers<[1], [0], [0], [1], [0, 0, 1, 1], [], []>, transpose_lhs_hint = false} : vector<1x128xf32>, vector<128x128xf32>, vector<1x128xf32> -> vector<1x128xf32>
      %eq3A_173 = arith.constant 0.000000e+00 : f32
      %eq3A_174 = vector.broadcast %eq3A_173 : f32 to vector<1x128xf32>
      %eq3A_175 = arith.cmpf oeq, %dot_general3A_172, %eq3A_174 : vector<1x128xf32>
      %convert_element_type3A_176 = arith.extui %eq3A_175 : vector<1x128xi1> to vector<1x128xi32>
      %convert_element_type3A_177 = arith.sitofp %convert_element_type3A_176 : vector<1x128xi32> to vector<1x128xf32>
      %mul3A_178 = arith.mulf %transpose3A, %convert_element_type3A_177 : vector<1x128xf32>
      %ne3A = arith.cmpf one, %mul3A_178, %transpose3A : vector<1x128xf32>
      %reduce_or3A = arith.constant 1.000000e+00 : f32
      %reduce_or3A_179 = arith.constant 0.000000e+00 : f32
      %reduce_or3A_180 = vector.broadcast %reduce_or3A : f32 to vector<1x128xf32>
      %reduce_or3A_181 = vector.broadcast %reduce_or3A_179 : f32 to vector<1x128xf32>
      %reduce_or3A_182 = arith.select %ne3A, %reduce_or3A_180, %reduce_or3A_181 : vector<1x128xi1>, vector<1x128xf32>
      %reduce_or3A_183 = vector.shape_cast %reduce_or3A_182 : vector<1x128xf32> to vector<1x1x128xf32>
      %reduce_or3A_184 = arith.constant dense<0xFF800000> : vector<1xf32>
      %reduce_or3A_185 = vector.multi_reduction <maximumf>, %reduce_or3A_183, %reduce_or3A_184 [1, 2] : vector<1x1x128xf32> to vector<1xf32>
      %reduce_or3A_186 = vector.shape_cast %reduce_or3A_185 : vector<1xf32> to vector<1x1x1xf32>
      %reduce_or3A_187 = vector.extract %reduce_or3A_186[0, 0, 0] : f32 from vector<1x1x1xf32>
      %reduce_or3A_188 = arith.constant 0.000000e+00 : f32
      %reduce_or3A_189 = arith.cmpf ogt, %reduce_or3A_187, %reduce_or3A_188 : f32
      %while3A:3 = scf.while (%while3A_198 = %mul3A_178, %while3A_199 = %transpose3A, %while3A_200 = %reduce_or3A_189) : (vector<1x128xf32>, vector<1x128xf32>, i1) -> (vector<1x128xf32>, vector<1x128xf32>, i1) {
        scf.condition(%while3A_200) %while3A_198, %while3A_199, %while3A_200 : vector<1x128xf32>, vector<1x128xf32>, i1
      } do {
      ^bb0(%while3A_198: vector<1x128xf32>, %while3A_199: vector<1x128xf32>, %while3A_200: i1):
        %dot_general3A_201 = arith.constant dense<0.000000e+00> : vector<1x128xf32>
        %dot_general3A_202 = tpu.matmul %while3A_198, %select_n3A_171, %dot_general3A_201 {dimension_numbers = #tpu.dot_dimension_numbers<[1], [0], [0], [1], [0, 0, 1, 1], [], []>, transpose_lhs_hint = false} : vector<1x128xf32>, vector<128x128xf32>, vector<1x128xf32> -> vector<1x128xf32>
        %eq3A_203 = arith.constant 0.000000e+00 : f32
        %eq3A_204 = vector.broadcast %eq3A_203 : f32 to vector<1x128xf32>
        %eq3A_205 = arith.cmpf oeq, %dot_general3A_202, %eq3A_204 : vector<1x128xf32>
        %convert_element_type3A_206 = arith.extui %eq3A_205 : vector<1x128xi1> to vector<1x128xi32>
        %convert_element_type3A_207 = arith.sitofp %convert_element_type3A_206 : vector<1x128xi32> to vector<1x128xf32>
        %mul3A_208 = arith.mulf %transpose3A, %convert_element_type3A_207 : vector<1x128xf32>
        %ne3A_209 = arith.cmpf one, %mul3A_208, %while3A_198 : vector<1x128xf32>
        %reduce_or3A_210 = arith.constant 1.000000e+00 : f32
        %reduce_or3A_211 = arith.constant 0.000000e+00 : f32
        %reduce_or3A_212 = vector.broadcast %reduce_or3A_210 : f32 to vector<1x128xf32>
        %reduce_or3A_213 = vector.broadcast %reduce_or3A_211 : f32 to vector<1x128xf32>
        %reduce_or3A_214 = arith.select %ne3A_209, %reduce_or3A_212, %reduce_or3A_213 : vector<1x128xi1>, vector<1x128xf32>
        %reduce_or3A_215 = vector.shape_cast %reduce_or3A_214 : vector<1x128xf32> to vector<1x1x128xf32>
        %reduce_or3A_216 = arith.constant dense<0xFF800000> : vector<1xf32>
        %reduce_or3A_217 = vector.multi_reduction <maximumf>, %reduce_or3A_215, %reduce_or3A_216 [1, 2] : vector<1x1x128xf32> to vector<1xf32>
        %reduce_or3A_218 = vector.shape_cast %reduce_or3A_217 : vector<1xf32> to vector<1x1x1xf32>
        %reduce_or3A_219 = vector.extract %reduce_or3A_218[0, 0, 0] : f32 from vector<1x1x1xf32>
        %reduce_or3A_220 = arith.constant 0.000000e+00 : f32
        %reduce_or3A_221 = arith.cmpf ogt, %reduce_or3A_219, %reduce_or3A_220 : f32
        scf.yield %mul3A_208, %while3A_198, %reduce_or3A_221 : vector<1x128xf32>, vector<1x128xf32>, i1
      }
      %swap3A_190 = arith.index_cast %scan3A_43 : i32 to index
      %swap3A_191 = arith.constant 0 : index
      %swap3A_192 = vector.load %arg12[%swap3A_190, %swap3A_191] : memref<40x128xf32, #tpu.memory_space<vmem>>, vector<1x128xf32>
      tpu.vector_store %arg12[%swap3A_190, %swap3A_191], %while3A#0 {strides = array<i32>} : memref<40x128xf32, #tpu.memory_space<vmem>>, vector<1x128xf32>,
      %mul3A_193 = arith.constant 128 : i32
      %mul3A_194 = arith.muli %scan3A_43, %mul3A_193 : i32
      %swap3A_195 = arith.constant 0 : index
      %swap3A_196 = arith.index_cast %mul3A_194 : i32 to index
      %swap3A_197 = vector.load %arg14[%swap3A_195, %swap3A_196] : memref<1x5120xf32, #tpu.memory_space<vmem>>, vector<1x128xf32>
      tpu.vector_store %arg14[%swap3A_195, %swap3A_196], %while3A#0 {strides = array<i32>} : memref<1x5120xf32, #tpu.memory_space<vmem>>, vector<1x128xf32>,
    }
    %scan3A_37 = arith.constant 10 : i32
    %scan3A_38 = arith.constant 30 : i32
    %scan3A_39 = arith.constant 10 : i32
    %scan3A_40 = arith.addi %scan3A_38, %scan3A_39 : i32
    %scan3A_41 = arith.constant 1 : i32
    scf.for %scan3A_43 = %scan3A_38 to %scan3A_40 step %scan3A_41  : i32 {
      %mul3A_44 = arith.constant 128 : i32
      %mul3A_45 = arith.muli %scan3A_43, %mul3A_44 : i32
      %get3A_46 = arith.index_cast %mul3A_45 : i32 to index
      %get3A_47 = arith.constant 0 : index
      %get3A_48 = vector.load %arg4[%get3A_46, %get3A_47] : memref<5120x1xf32, #tpu.memory_space<vmem>>, vector<128x1xf32>
      %mul3A_49 = arith.constant 128 : i32
      %mul3A_50 = arith.muli %scan3A_43, %mul3A_49 : i32
      %get3A_51 = arith.index_cast %mul3A_50 : i32 to index
      %get3A_52 = arith.constant 0 : index
      %get3A_53 = vector.load %arg5[%get3A_51, %get3A_52] : memref<5120x1xf32, #tpu.memory_space<vmem>>, vector<128x1xf32>
      %mul3A_54 = arith.constant 128 : i32
      %mul3A_55 = arith.muli %scan3A_43, %mul3A_54 : i32
      %get3A_56 = arith.index_cast %mul3A_55 : i32 to index
      %get3A_57 = arith.constant 0 : index
      %get3A_58 = vector.load %arg6[%get3A_56, %get3A_57] : memref<5120x1xf32, #tpu.memory_space<vmem>>, vector<128x1xf32>
      %mul3A_59 = arith.constant 128 : i32
      %mul3A_60 = arith.muli %scan3A_43, %mul3A_59 : i32
      %get3A_61 = arith.index_cast %mul3A_60 : i32 to index
      %get3A_62 = arith.constant 0 : index
      %get3A_63 = vector.load %arg7[%get3A_61, %get3A_62] : memref<5120x1xf32, #tpu.memory_space<vmem>>, vector<128x1xf32>
      %sub3A_64 = arith.subf %get3A_58, %get3A_48 : vector<128x1xf32>
      %sub3A_65 = arith.subf %get3A_63, %get3A_53 : vector<128x1xf32>
      %mul3A_66 = arith.mulf %sub3A_64, %sub3A_65 : vector<128x1xf32>
      %get3A_67 = arith.constant 0 : index
      %get3A_68 = arith.constant 0 : index
      %get3A_69 = vector.load %arg8[%get3A_67, %get3A_68] : memref<1x5120xf32, #tpu.memory_space<vmem>>, vector<1x5120xf32>
      %get3A_70 = arith.constant 0 : index
      %get3A_71 = arith.constant 0 : index
      %get3A_72 = vector.load %arg9[%get3A_70, %get3A_71] : memref<1x5120xf32, #tpu.memory_space<vmem>>, vector<1x5120xf32>
      %get3A_73 = arith.constant 0 : index
      %get3A_74 = arith.constant 0 : index
      %get3A_75 = vector.load %arg10[%get3A_73, %get3A_74] : memref<1x5120xf32, #tpu.memory_space<vmem>>, vector<1x5120xf32>
      %get3A_76 = arith.constant 0 : index
      %get3A_77 = arith.constant 0 : index
      %get3A_78 = vector.load %arg11[%get3A_76, %get3A_77] : memref<1x5120xf32, #tpu.memory_space<vmem>>, vector<1x5120xf32>
      %get3A_79 = arith.constant 0 : index
      %get3A_80 = arith.constant 0 : index
      %get3A_81 = vector.load %arg13[%get3A_79, %get3A_80] : memref<1x5120xf32, #tpu.memory_space<vmem>>, vector<1x5120xf32>
      %max3A = vector.broadcast %get3A_48 : vector<128x1xf32> to vector<128x5120xf32>
      %max3A_82 = vector.broadcast %get3A_69 : vector<1x5120xf32> to vector<128x5120xf32>
      %max3A_83 = arith.maximumf %max3A, %max3A_82 : vector<128x5120xf32>
      %max3A_84 = vector.broadcast %get3A_53 : vector<128x1xf32> to vector<128x5120xf32>
      %max3A_85 = vector.broadcast %get3A_72 : vector<1x5120xf32> to vector<128x5120xf32>
      %max3A_86 = arith.maximumf %max3A_84, %max3A_85 : vector<128x5120xf32>
      %min3A = vector.broadcast %get3A_58 : vector<128x1xf32> to vector<128x5120xf32>
      %min3A_87 = vector.broadcast %get3A_75 : vector<1x5120xf32> to vector<128x5120xf32>
      %min3A_88 = arith.minimumf %min3A, %min3A_87 : vector<128x5120xf32>
      %min3A_89 = vector.broadcast %get3A_63 : vector<128x1xf32> to vector<128x5120xf32>
      %min3A_90 = vector.broadcast %get3A_78 : vector<1x5120xf32> to vector<128x5120xf32>
      %min3A_91 = arith.minimumf %min3A_89, %min3A_90 : vector<128x5120xf32>
      %sub3A_92 = arith.subf %min3A_88, %max3A_83 : vector<128x5120xf32>
      %max3A_93 = arith.constant 0.000000e+00 : f32
      %max3A_94 = vector.broadcast %max3A_93 : f32 to vector<128x5120xf32>
      %max3A_95 = arith.maximumf %sub3A_92, %max3A_94 : vector<128x5120xf32>
      %sub3A_96 = arith.subf %min3A_91, %max3A_86 : vector<128x5120xf32>
      %max3A_97 = arith.constant 0.000000e+00 : f32
      %max3A_98 = vector.broadcast %max3A_97 : f32 to vector<128x5120xf32>
      %max3A_99 = arith.maximumf %sub3A_96, %max3A_98 : vector<128x5120xf32>
      %mul3A_100 = arith.mulf %max3A_95, %max3A_99 : vector<128x5120xf32>
      %add3A = vector.broadcast %get3A_81 : vector<1x5120xf32> to vector<128x5120xf32>
      %add3A_101 = vector.broadcast %mul3A_66 : vector<128x1xf32> to vector<128x5120xf32>
      %add3A_102 = arith.addf %add3A, %add3A_101 : vector<128x5120xf32>
      %sub3A_103 = arith.subf %add3A_102, %mul3A_100 : vector<128x5120xf32>
      %add3A_104 = arith.constant 9.99999971E-10 : f32
      %add3A_105 = vector.broadcast %add3A_104 : f32 to vector<128x5120xf32>
      %add3A_106 = arith.addf %sub3A_103, %add3A_105 : vector<128x5120xf32>
      %div3A = arith.divf %mul3A_100, %add3A_106 : vector<128x5120xf32>
      %gt3A = arith.constant 5.000000e-01 : f32
      %gt3A_107 = vector.broadcast %gt3A : f32 to vector<128x5120xf32>
      %gt3A_108 = arith.cmpf ogt, %div3A, %gt3A_107 : vector<128x5120xf32>
      %get3A_109 = arith.constant 0 : index
      %get3A_110 = arith.constant 0 : index
      %get3A_111 = vector.load %arg14[%get3A_109, %get3A_110] : memref<1x5120xf32, #tpu.memory_space<vmem>>, vector<1x5120xf32>
      %jit3A = arith.constant 0.000000e+00 : f32
      %broadcast_in_dim3A_112 = vector.shape_cast %get3A_111 : vector<1x5120xf32> to vector<1x5120xf32>
      %broadcast_in_dim3A_113 = vector.broadcast %broadcast_in_dim3A_112 : vector<1x5120xf32> to vector<128x5120xf32>
      %broadcast_in_dim3A_114 = vector.broadcast %jit3A : f32 to vector<128x5120xf32>
      %select_n3A = arith.select %gt3A_108, %broadcast_in_dim3A_113, %broadcast_in_dim3A_114 : vector<128x5120xi1>, vector<128x5120xf32>
      %reduce_max3A = arith.constant dense<0xFF800000> : vector<128xf32>
      %reduce_max3A_115 = vector.multi_reduction <maximumf>, %select_n3A, %reduce_max3A [1] : vector<128x5120xf32> to vector<128xf32>
      %broadcast_in_dim3A_116 = vector.shape_cast %reduce_max3A_115 : vector<128xf32> to vector<128x1xf32>
      %eq3A = arith.constant 0.000000e+00 : f32
      %eq3A_117 = vector.broadcast %eq3A : f32 to vector<128x1xf32>
      %eq3A_118 = arith.cmpf oeq, %broadcast_in_dim3A_116, %eq3A_117 : vector<128x1xf32>
      %convert_element_type3A = arith.extui %eq3A_118 : vector<128x1xi1> to vector<128x1xi32>
      %convert_element_type3A_119 = arith.sitofp %convert_element_type3A : vector<128x1xi32> to vector<128x1xf32>
      %transpose3A = tpu.transpose %convert_element_type3A_119, [1, 0] : vector<128x1xf32> -> vector<1x128xf32>
      %get3A_120 = arith.index_cast %scan3A_43 : i32 to index
      %get3A_121 = arith.constant 0 : index
      %get3A_122 = vector.load %arg0[%get3A_120, %get3A_121] : memref<40x128xf32, #tpu.memory_space<vmem>>, vector<1x128xf32>
      %get3A_123 = arith.index_cast %scan3A_43 : i32 to index
      %get3A_124 = arith.constant 0 : index
      %get3A_125 = vector.load %arg1[%get3A_123, %get3A_124] : memref<40x128xf32, #tpu.memory_space<vmem>>, vector<1x128xf32>
      %get3A_126 = arith.index_cast %scan3A_43 : i32 to index
      %get3A_127 = arith.constant 0 : index
      %get3A_128 = vector.load %arg2[%get3A_126, %get3A_127] : memref<40x128xf32, #tpu.memory_space<vmem>>, vector<1x128xf32>
      %get3A_129 = arith.index_cast %scan3A_43 : i32 to index
      %get3A_130 = arith.constant 0 : index
      %get3A_131 = vector.load %arg3[%get3A_129, %get3A_130] : memref<40x128xf32, #tpu.memory_space<vmem>>, vector<1x128xf32>
      %sub3A_132 = arith.subf %get3A_128, %get3A_122 : vector<1x128xf32>
      %sub3A_133 = arith.subf %get3A_131, %get3A_125 : vector<1x128xf32>
      %mul3A_134 = arith.mulf %sub3A_132, %sub3A_133 : vector<1x128xf32>
      %max3A_135 = vector.broadcast %get3A_48 : vector<128x1xf32> to vector<128x128xf32>
      %max3A_136 = vector.broadcast %get3A_122 : vector<1x128xf32> to vector<128x128xf32>
      %max3A_137 = arith.maximumf %max3A_135, %max3A_136 : vector<128x128xf32>
      %max3A_138 = vector.broadcast %get3A_53 : vector<128x1xf32> to vector<128x128xf32>
      %max3A_139 = vector.broadcast %get3A_125 : vector<1x128xf32> to vector<128x128xf32>
      %max3A_140 = arith.maximumf %max3A_138, %max3A_139 : vector<128x128xf32>
      %min3A_141 = vector.broadcast %get3A_58 : vector<128x1xf32> to vector<128x128xf32>
      %min3A_142 = vector.broadcast %get3A_128 : vector<1x128xf32> to vector<128x128xf32>
      %min3A_143 = arith.minimumf %min3A_141, %min3A_142 : vector<128x128xf32>
      %min3A_144 = vector.broadcast %get3A_63 : vector<128x1xf32> to vector<128x128xf32>
      %min3A_145 = vector.broadcast %get3A_131 : vector<1x128xf32> to vector<128x128xf32>
      %min3A_146 = arith.minimumf %min3A_144, %min3A_145 : vector<128x128xf32>
      %sub3A_147 = arith.subf %min3A_143, %max3A_137 : vector<128x128xf32>
      %max3A_148 = arith.constant 0.000000e+00 : f32
      %max3A_149 = vector.broadcast %max3A_148 : f32 to vector<128x128xf32>
      %max3A_150 = arith.maximumf %sub3A_147, %max3A_149 : vector<128x128xf32>
      %sub3A_151 = arith.subf %min3A_146, %max3A_140 : vector<128x128xf32>
      %max3A_152 = arith.constant 0.000000e+00 : f32
      %max3A_153 = vector.broadcast %max3A_152 : f32 to vector<128x128xf32>
      %max3A_154 = arith.maximumf %sub3A_151, %max3A_153 : vector<128x128xf32>
      %mul3A_155 = arith.mulf %max3A_150, %max3A_154 : vector<128x128xf32>
      %add3A_156 = vector.broadcast %mul3A_66 : vector<128x1xf32> to vector<128x128xf32>
      %add3A_157 = vector.broadcast %mul3A_134 : vector<1x128xf32> to vector<128x128xf32>
      %add3A_158 = arith.addf %add3A_156, %add3A_157 : vector<128x128xf32>
      %sub3A_159 = arith.subf %add3A_158, %mul3A_155 : vector<128x128xf32>
      %add3A_160 = arith.constant 9.99999971E-10 : f32
      %add3A_161 = vector.broadcast %add3A_160 : f32 to vector<128x128xf32>
      %add3A_162 = arith.addf %sub3A_159, %add3A_161 : vector<128x128xf32>
      %div3A_163 = arith.divf %mul3A_155, %add3A_162 : vector<128x128xf32>
      %gt3A_164 = arith.constant 5.000000e-01 : f32
      %gt3A_165 = vector.broadcast %gt3A_164 : f32 to vector<128x128xf32>
      %gt3A_166 = arith.cmpf ogt, %div3A_163, %gt3A_165 : vector<128x128xf32>
      %lt3A = arith.cmpi slt, %iota3A, %iota3A_23 : vector<128x128xi32>
      %and3A = arith.andi %gt3A_166, %lt3A : vector<128x128xi1>
      %jit3A_167 = arith.constant 1.000000e+00 : f32
      %jit3A_168 = arith.constant 0.000000e+00 : f32
      %broadcast_in_dim3A_169 = vector.broadcast %jit3A_167 : f32 to vector<128x128xf32>
      %broadcast_in_dim3A_170 = vector.broadcast %jit3A_168 : f32 to vector<128x128xf32>
      %select_n3A_171 = arith.select %and3A, %broadcast_in_dim3A_169, %broadcast_in_dim3A_170 : vector<128x128xi1>, vector<128x128xf32>
      %dot_general3A = arith.constant dense<0.000000e+00> : vector<1x128xf32>
      %dot_general3A_172 = tpu.matmul %transpose3A, %select_n3A_171, %dot_general3A {dimension_numbers = #tpu.dot_dimension_numbers<[1], [0], [0], [1], [0, 0, 1, 1], [], []>, transpose_lhs_hint = false} : vector<1x128xf32>, vector<128x128xf32>, vector<1x128xf32> -> vector<1x128xf32>
      %eq3A_173 = arith.constant 0.000000e+00 : f32
      %eq3A_174 = vector.broadcast %eq3A_173 : f32 to vector<1x128xf32>
      %eq3A_175 = arith.cmpf oeq, %dot_general3A_172, %eq3A_174 : vector<1x128xf32>
      %convert_element_type3A_176 = arith.extui %eq3A_175 : vector<1x128xi1> to vector<1x128xi32>
      %convert_element_type3A_177 = arith.sitofp %convert_element_type3A_176 : vector<1x128xi32> to vector<1x128xf32>
      %mul3A_178 = arith.mulf %transpose3A, %convert_element_type3A_177 : vector<1x128xf32>
      %ne3A = arith.cmpf one, %mul3A_178, %transpose3A : vector<1x128xf32>
      %reduce_or3A = arith.constant 1.000000e+00 : f32
      %reduce_or3A_179 = arith.constant 0.000000e+00 : f32
      %reduce_or3A_180 = vector.broadcast %reduce_or3A : f32 to vector<1x128xf32>
      %reduce_or3A_181 = vector.broadcast %reduce_or3A_179 : f32 to vector<1x128xf32>
      %reduce_or3A_182 = arith.select %ne3A, %reduce_or3A_180, %reduce_or3A_181 : vector<1x128xi1>, vector<1x128xf32>
      %reduce_or3A_183 = vector.shape_cast %reduce_or3A_182 : vector<1x128xf32> to vector<1x1x128xf32>
      %reduce_or3A_184 = arith.constant dense<0xFF800000> : vector<1xf32>
      %reduce_or3A_185 = vector.multi_reduction <maximumf>, %reduce_or3A_183, %reduce_or3A_184 [1, 2] : vector<1x1x128xf32> to vector<1xf32>
      %reduce_or3A_186 = vector.shape_cast %reduce_or3A_185 : vector<1xf32> to vector<1x1x1xf32>
      %reduce_or3A_187 = vector.extract %reduce_or3A_186[0, 0, 0] : f32 from vector<1x1x1xf32>
      %reduce_or3A_188 = arith.constant 0.000000e+00 : f32
      %reduce_or3A_189 = arith.cmpf ogt, %reduce_or3A_187, %reduce_or3A_188 : f32
      %while3A:3 = scf.while (%while3A_198 = %mul3A_178, %while3A_199 = %transpose3A, %while3A_200 = %reduce_or3A_189) : (vector<1x128xf32>, vector<1x128xf32>, i1) -> (vector<1x128xf32>, vector<1x128xf32>, i1) {
        scf.condition(%while3A_200) %while3A_198, %while3A_199, %while3A_200 : vector<1x128xf32>, vector<1x128xf32>, i1
      } do {
      ^bb0(%while3A_198: vector<1x128xf32>, %while3A_199: vector<1x128xf32>, %while3A_200: i1):
        %dot_general3A_201 = arith.constant dense<0.000000e+00> : vector<1x128xf32>
        %dot_general3A_202 = tpu.matmul %while3A_198, %select_n3A_171, %dot_general3A_201 {dimension_numbers = #tpu.dot_dimension_numbers<[1], [0], [0], [1], [0, 0, 1, 1], [], []>, transpose_lhs_hint = false} : vector<1x128xf32>, vector<128x128xf32>, vector<1x128xf32> -> vector<1x128xf32>
        %eq3A_203 = arith.constant 0.000000e+00 : f32
        %eq3A_204 = vector.broadcast %eq3A_203 : f32 to vector<1x128xf32>
        %eq3A_205 = arith.cmpf oeq, %dot_general3A_202, %eq3A_204 : vector<1x128xf32>
        %convert_element_type3A_206 = arith.extui %eq3A_205 : vector<1x128xi1> to vector<1x128xi32>
        %convert_element_type3A_207 = arith.sitofp %convert_element_type3A_206 : vector<1x128xi32> to vector<1x128xf32>
        %mul3A_208 = arith.mulf %transpose3A, %convert_element_type3A_207 : vector<1x128xf32>
        %ne3A_209 = arith.cmpf one, %mul3A_208, %while3A_198 : vector<1x128xf32>
        %reduce_or3A_210 = arith.constant 1.000000e+00 : f32
        %reduce_or3A_211 = arith.constant 0.000000e+00 : f32
        %reduce_or3A_212 = vector.broadcast %reduce_or3A_210 : f32 to vector<1x128xf32>
        %reduce_or3A_213 = vector.broadcast %reduce_or3A_211 : f32 to vector<1x128xf32>
        %reduce_or3A_214 = arith.select %ne3A_209, %reduce_or3A_212, %reduce_or3A_213 : vector<1x128xi1>, vector<1x128xf32>
        %reduce_or3A_215 = vector.shape_cast %reduce_or3A_214 : vector<1x128xf32> to vector<1x1x128xf32>
        %reduce_or3A_216 = arith.constant dense<0xFF800000> : vector<1xf32>
        %reduce_or3A_217 = vector.multi_reduction <maximumf>, %reduce_or3A_215, %reduce_or3A_216 [1, 2] : vector<1x1x128xf32> to vector<1xf32>
        %reduce_or3A_218 = vector.shape_cast %reduce_or3A_217 : vector<1xf32> to vector<1x1x1xf32>
        %reduce_or3A_219 = vector.extract %reduce_or3A_218[0, 0, 0] : f32 from vector<1x1x1xf32>
        %reduce_or3A_220 = arith.constant 0.000000e+00 : f32
        %reduce_or3A_221 = arith.cmpf ogt, %reduce_or3A_219, %reduce_or3A_220 : f32
        scf.yield %mul3A_208, %while3A_198, %reduce_or3A_221 : vector<1x128xf32>, vector<1x128xf32>, i1
      }
      %swap3A_190 = arith.index_cast %scan3A_43 : i32 to index
      %swap3A_191 = arith.constant 0 : index
      %swap3A_192 = vector.load %arg12[%swap3A_190, %swap3A_191] : memref<40x128xf32, #tpu.memory_space<vmem>>, vector<1x128xf32>
      tpu.vector_store %arg12[%swap3A_190, %swap3A_191], %while3A#0 {strides = array<i32>} : memref<40x128xf32, #tpu.memory_space<vmem>>, vector<1x128xf32>,
      %mul3A_193 = arith.constant 128 : i32
      %mul3A_194 = arith.muli %scan3A_43, %mul3A_193 : i32
      %swap3A_195 = arith.constant 0 : index
      %swap3A_196 = arith.index_cast %mul3A_194 : i32 to index
      %swap3A_197 = vector.load %arg14[%swap3A_195, %swap3A_196] : memref<1x5120xf32, #tpu.memory_space<vmem>>, vector<1x128xf32>
      tpu.vector_store %arg14[%swap3A_195, %swap3A_196], %while3A#0 {strides = array<i32>} : memref<1x5120xf32, #tpu.memory_space<vmem>>, vector<1x128xf32>,
    }
    %scan3A_42 = arith.constant 10 : i32
    return
  }
}

</mosaic_0001>

<sc_bundles>
// kernel: kernel.4.cloned.1.call-start
scs
__scs_entry_jumppad:
0x0: {  	(pc) =	sbr.rel $0x88, $3  }
0x1: {  	(tag) =	ssettag $0x0;
	lr =	simm.s32 $0x1  }
0x2: {  	[smem:$0x3F9F] =	sst lr;
	_ =	strace $0xD0000000  }
0x3: {  	_ = 	snop  }
0x4: {  	_ = 	snop  }
0x5: {  	_ = 	snop  }
0x6: {  	_ = 	snop  }
0x7: {  	_ = 	snop  }
__scs_overlays_trampoline_lowered:
0x8: {  	[smem:$0x3FAE] =	sst s0  }
0x9: {  	[smem:$0x3FAF] =	sst s1  }
0xa: {  	[smem:$0x3FB0] =	sst s2  }
0xb: {  	[smem:$0x3FB1] =	sst s3  }
0xc: {  	[smem:$0x3FB2] =	sst s4  }
0xd: {  	[smem:$0x3FB3] =	sst s5  }
0xe: {  	[smem:$0x3FB4] =	sst s6  }
0xf: {  	[smem:$0x3FB5] =	sst s7  }
0x10: {  	[smem:$0x3FB6] =	sst s8  }
0x11: {  	[smem:$0x3FB7] =	sst s9;
	s0 =	simm.s32 @!p0 $0x0  }
0x12: {  	s1 =	sld [smem:$0x3F9D];
	s0 =	simm.s32 @p0 $0x1  }
0x13: {  	[smem:$0x3FB8] =	sst s0;
	s0 =	simm.s32 @!p1 $0x0  }
0x14: {  	s2 =	sld [smem:$0x3F9C];
	s0 =	simm.s32 @p1 $0x1  }
0x15: {  	[smem:$0x3FB9] =	sst s0;
	s0 =	simm.s32 @!p2 $0x0  }
0x16: {  	s3 =	sld [smem:$0x3FDB];
	s0 =	simm.s32 @p2 $0x1  }
0x17: {  	s4 =	simm.s32 $0x1BF5;
	[smem:$0x3FBB] =	sst s0  }
0x18: {  	s0 =	sld [smem:$0x3F9E];
	_ =	swait.ge [sflag:s4], $0x0  }
0x19: {  	s7 =	sld [smem:$0x3F9F]  }
0x1a: {  	s8 =	sadd.s32 $0xFFFFE003, lr  }
0x1b: {  	s9 =	sadd.s32 $0xFFFFFEF7, lr;
	s5 =	simm.s32 $0xFFFFFFFF;
	p2 =	slt.u32 s8, $0xFFFFF086  }
0x1c: {  	p1 =	slt.u32 s9, $0xF7A;
	s5 =	simm.s32 @!p2 $0x0  }
0x1d: {  	s5 =	simm.s32 @p1 $0x1;
	p0 =	seq.s32 s7, s2  }
0x1e: {  	s7 =	smul.u32 @!p0 $0xF7A, s2;
	p2 =	seq.s32 @!p0 s5, $0x0  }
0x1f: {  	s9 =	smul.u32 $0xF7A, s1;
	s8 =	simm.s32 @!p0 $0x1BF5;
	p2 =	por !p2, p0  }
0x20: {  	[sflag:s8] =	ssyncset.s32 @!p0 $0xFFFFF086;
	s6 =	sadd.s32 @!p0 s3, s7;
	s7 =	simm.s32 @!p0 $0x108  }
0x21: {  	s3 =	sadd.s32 s3, s9;
	s6 =	sadd.s32 @!p0 $0x88, s6;
	s7 =	simm.s32 @p2 $0x1082  }
0x22: {  	[simem:s7], [sflag:s8] =	dma.local @!p0 [hbm:s6], $0xF7A  }
0x23: {  	s9 =	sor.u32 $0xD0000000, s2;
	s6 =	simm.s32 $0x108;
	_ =	swait.ge @!p0 [sflag:s8], $0x0  }
0x24: {  	s3 =	sadd.s32 $0x88, s3;
	s6 =	simm.s32 @!p1 $0x1082;
	[sflag:s4] =	ssyncset.s32 $0xFFFFF086  }
0x25: {  	[simem:s6], [sflag:s4] =	dma.local [hbm:s3], $0xF7A  }
0x26: {  	[smem:$0x3F9F] =	sst s1;
	(tag) =	ssettag s2;
	_ =	strace s9  }
0x27: {  	s1 =	sld [smem:$0x3FAF]  }
0x28: {  	s2 =	sld [smem:$0x3FB0]  }
0x29: {  	s4 =	sld [smem:$0x3FB2]  }
0x2a: {  	p0 =	seq.s32 s5, $0x0;
	s5 =	sld [smem:$0x3FB3]  }
0x2b: {  	s6 =	sld [smem:$0x3FB4]  }
0x2c: {  	s7 =	sld [smem:$0x3FB5]  }
0x2d: {  	s3 =	simm.s32 $0x108;
	s8 =	sld [smem:$0x3FB6]  }
0x2e: {  	s3 =	simm.s32 @!p0 $0x1082;
	s9 =	sld [smem:$0x3FB7]  }
0x2f: {  	lr =	sadd.s32 s0, s3;
	s0 =	sld [smem:$0x3FAE]  }
0x30: {  	s3 =	sld [smem:$0x3FB1]  }
0x31: {  	[smem:$0x3FBA] =	sst s10  }
0x32: {  	s10 =	sld [smem:$0x3FB8];
	_ =	sdelay $0x3  }
0x33: {  	p0 =	seq.s32 s10, $0x1;
	s10 =	sld [smem:$0x3FBA];
	_ =	sdelay $0x3  }
0x34: {  	[smem:$0x3FBA] =	sst s10  }
0x35: {  	s10 =	sld [smem:$0x3FB9];
	_ =	sdelay $0x3  }
0x36: {  	p1 =	seq.s32 s10, $0x1;
	s10 =	sld [smem:$0x3FBA];
	_ =	sdelay $0x3  }
0x37: {  	[smem:$0x3FBA] =	sst s10  }
0x38: {  	s10 =	sld [smem:$0x3FBB]  }
0x39: {  	_ = 	snop;
	(pc) =	sbr.ind lr, $3  }
0x3a: {  	_ = 	snop  }
0x3b: {  	_ = 	snop  }
0x3c: {  	p2 =	seq.s32 s10, $0x1;
	s10 =	sld [smem:$0x3FBA]  }
0x3d: {  	_ =	shalt  }
0x3e: {  	_ =	shalt  }
0x3f: {  	_ =	shalt  }
0x40: {  	_ =	shalt  }
0x41: {  	_ =	shalt  }
0x42: {  	_ =	shalt  }
0x43: {  	_ =	shalt  }
0x44: {  	_ =	shalt  }
0x45: {  	_ =	shalt  }
0x46: {  	_ =	shalt  }
0x47: {  	_ =	shalt  }
0x48: {  	_ =	shalt  }
0x49: {  	_ =	shalt  }
0x4a: {  	_ =	shalt  }
0x4b: {  	_ =	shalt  }
0x4c: {  	_ =	shalt  }
0x4d: {  	_ =	shalt  }
0x4e: {  	_ =	shalt  }
0x4f: {  	_ =	shalt  }
0x50: {  	_ =	shalt  }
0x51: {  	_ =	shalt  }
0x52: {  	_ =	shalt  }
0x53: {  	_ =	shalt  }
0x54: {  	_ =	shalt  }
0x55: {  	_ =	shalt  }
0x56: {  	_ =	shalt  }
0x57: {  	_ =	shalt  }
0x58: {  	_ =	shalt  }
0x59: {  	_ =	shalt  }
0x5a: {  	_ =	shalt  }
0x5b: {  	_ =	shalt  }
0x5c: {  	_ =	shalt  }
0x5d: {  	_ =	shalt  }
0x5e: {  	_ =	shalt  }
0x5f: {  	_ =	shalt  }
0x60: {  	_ =	shalt  }
0x61: {  	_ =	shalt  }
0x62: {  	_ =	shalt  }
0x63: {  	_ =	shalt  }
0x64: {  	_ =	shalt  }
0x65: {  	_ =	shalt  }
0x66: {  	_ =	shalt  }
0x67: {  	_ =	shalt  }
0x68: {  	_ =	shalt  }
0x69: {  	_ =	shalt  }
0x6a: {  	_ =	shalt  }
0x6b: {  	_ =	shalt  }
0x6c: {  	_ =	shalt  }
0x6d: {  	_ =	shalt  }
0x6e: {  	_ =	shalt  }
0x6f: {  	_ =	shalt  }
0x70: {  	_ =	shalt  }
0x71: {  	_ =	shalt  }
0x72: {  	_ =	shalt  }
0x73: {  	_ =	shalt  }
0x74: {  	_ =	shalt  }
0x75: {  	_ =	shalt  }
0x76: {  	_ =	shalt  }
0x77: {  	_ =	shalt  }
0x78: {  	_ =	shalt  }
0x79: {  	_ =	shalt  }
0x7a: {  	_ =	shalt  }
0x7b: {  	_ =	shalt  }
0x7c: {  	_ =	shalt  }
0x7d: {  	_ =	shalt  }
0x7e: {  	_ =	shalt  }
0x7f: {  	_ =	shalt  }
0x80: {  	_ =	shalt  }
0x81: {  	_ =	shalt  }
0x82: {  	_ =	shalt  }
0x83: {  	_ =	shalt  }
0x84: {  	_ =	shalt  }
0x85: {  	_ =	shalt  }
0x86: {  	_ =	shalt  }
0x87: {  	_ =	shalt  }
.Lfunc_end0:
.L_simem_size_0:
called_computation_lowered:
.L_overlay_start_0:
0x88: {  	s2 =	sld [smem:$0x3FD9]  }
0x89: {  	s3 =	sld [smem:$0x3FFE];
	_ =	sdelay $0x1  }
0x8a: {  	s1 =	srdreg.scid  }
0x8b: {  	s0 =	sand.u32 $0x1, s1  }
0x8c: {  	s14 =	sshll.u32 s0, $0xA;
	s2 =	sadd.s32 s3, s2  }
0x8d: {  	s2 =	sadd.s32 s2, s14  }
0x8e: {  	[smem:$0x3FC6] =	sst s2  }
0x8f: {  	_ = 	snop  }
0x90: {  	s2 =	sld [smem:$0x3FD0];
	_ =	sdelay $0x2  }
0x91: {  	s15 =	simm.s32 $0xA;
	s4 =	simm.s32 $0x10  }
0x92: {  	[smem:s4], [sflag:s15] =	dma.local [hbm:s2], $0x1  }
0x93: {  	_ =	swait.eq [sflag:s15], $0x1  }
0x94: {  	[sflag:s15] =	ssyncset.done $0x0  }
0x95: {  	[sflag:s15] =	ssyncadd.s32 $0xFFFFFFFF  }
0x96: {  	s16 =	sld [smem:$0x10];
	(tm) =	ssettm $0x1  }
0x97: {  	s17 =	sld [smem:$0x3FFB];
	_ =	sdelay $0x3  }
0x98: {  	_ =	strace s17  }
0x99: {  	s3 =	sld [smem:$0x3FFC];
	_ =	sdelay $0x3  }
0x9a: {  	_ =	strace s3  }
0x9b: {  	s3 =	sld [smem:$0x3FFD];
	_ =	sdelay $0x3  }
0x9c: {  	_ =	strace s3  }
0x9d: {  	_ =	strace $0x8FFFFFFF  }
0x9e: {  	s18 =	sld [smem:$0x3FDB];
	_ =	sdelay $0x1  }
0x9f: {  	s19 =	simm.s32 $_scs_section_size  }
0xa0: {  	s5 =	simm.s32 $_size__tile_overlayer_lowered;
	s6 =	simm.s32 $_tile_overlayer_lowered  }
0xa1: {  	s22 =	simm.s32 $0x1BFF;
	s21 =	sshll.u32 s6, $0x1;
	s3 =	sadd.s32 s19, s18  }
0xa2: {  	s7 =	simm.s32 $0x0;
	s20 =	sshll.u32 s5, $0x1;
	s5 =	sadd.s32 s21, s3  }
0xa3: {  	[timem:s7], [sflag:s22] =	dma.local [hbm:s5], s20  }
0xa4: {  	_ =	swait.ge [sflag:s22], s20  }
0xa5: {  	s4 =	ssub.s32 $0x0, s20;
	[sflag:s22] =	ssyncset.done $0x0  }
0xa6: {  	[sflag:s22] =	ssyncadd.s32 s4;
	_ =	sdelay $0x1  }
0xa7: {  	s23 =	simm.s32 $0x1B8B  }
0xa8: {  	_ =	swait.ge [sflag:s23], $0x1  }
0xa9: {  	[sflag:s23] =	ssyncset.done $0x0  }
0xaa: {  	s25 =	simm.s32 $0x1B8E;
	s24 =	sld [smem:$0x3FFE];
	[sflag:s23] =	ssyncadd.s32 $0xFFFFFFFF  }
0xab: {  	s26 =	simm.s32 $execute0_lowered;
	[smem:$0x3FD2] =	sst s25  }
0xac: {  	s5 =	sshll.u32 s26, $0x1;
	_ =	strace $0x80000046;
	[dreg:$0x1] =	wrdreg $0xFFFFFFFF  }
0xad: {  	s28 =	simm.s32 $_size_execute0_lowered;
	s3 =	sadd.s32 s3, s5;
	[dreg:$0x0] =	wrdreg $0x0  }
0xae: {  	s5 =	sshll.u32 s28, $0x1;
	[dreg:$0x2] =	wrdreg s3  }
0xaf: {  	[dreg:$0x3] =	wrdreg s5  }
0xb0: {  	[dreg:$0x4] =	wrdreg $0xC0  }
0xb1: {  	_ =	task [dreg:s7], $0x5FFFF  }
0xb2: {  	[dreg:$0x1] =	wrdreg $0xFFFFFFFF  }
0xb3: {  	[dreg:$0x0] =	wrdreg $0x60  }
0xb4: {  	[dreg:$0x2] =	wrdreg s16  }
0xb5: {  	[dreg:$0x3] =	wrdreg s24  }
0xb6: {  	[dreg:$0x4] =	wrdreg $0x9  }
0xb7: {  	_ =	task.clear_ibuf [dreg:s7], $0x5FFFF;
	_ =	strace $0x90000046  }
0xb8: {  	s29 =	simm.s32 $0x9;
	_ =	strace $0x80000048  }
0xb9: {  	_ =	swait.ge [sflag:s29], $0x1  }
0xba: {  	[sflag:s29] =	ssyncadd.s32 $0xFFFFFFFF  }
0xbb: {  	_ =	strace $0x90000048  }
0xbc: {  	_ =	sfence  }
0xbd: {  	s30 =	sld [smem:$0x0];
	_ =	sdelay $0x2  }
0xbe: {  	s31 =	sshll.u32 s1, $0xD;
	s1 =	sshrl.u32 s1, $0x2  }
0xbf: {  	s3 =	sand.u32 $0x4000, s31;
	s1 =	sadd.s32 s1, s30  }
0xc0: {  	s0 =	sor.u32 s3, s0;
	s1 =	sshll.u32 s1, $0x11  }
0xc1: {  	s0 =	sor.u32 s1, s0  }
0xc2: {  	s0 =	sadd.s32 $0x8F2B, s0  }
0xc3: {  	[sflag:s0] =	ssyncadd.remote.s32 $0x1  }
0xc4: {  	_ =	sfence.sel $0xFFFF  }
0xc5: {  	[dreg:$0x0] =	wrdreg $0xFFFFFFFF;
	(pc) =	sbr.abs _section_cstart, $3  }
0xc6: {  	[dreg:$0x1] =	wrdreg $0xFFFFFFFF  }
0xc7: {  	_ =	task.clear_ibuf [dreg:s7], $0x2FFFF;
	_ =	strace $0x9FFFFFFF  }
0xc8: {  	(tm) =	ssettm $0x7FFFFFFF  }
0xc9: {  	_ =	shalt  }
tec
execute0_lowered:
.L_overlay_start_1:
0x0: {  	(tag) =	ssettag $0x1  }
0x1: {  	s1 =	srdreg.scid;
	s0 =	stileid.u32  }
0x2: {  	s5 =	rddreg [dreg:$0x0];
	s6 =	sand.u32 $0x1, s1;
	s30 =	sshll.u32 s0, $0x1  }
0x3: {  	s7 =	rddreg [dreg:$0x1];
	s3 =	sor.u32 s6, s30  }
0x4: {  	s2 =	simm.s32 $0x0;
	s1 =	rddreg [dreg:$0x2];
	s8 =	smul.u32 $0x14, s3  }
0x5: {  	s4 =	simm.s32 $0x2;
	[smem:$0x7FF] =	sst s2  }
0x6: {  	_ =	strace $0x80000047;
	s9 =	ssub.s32 $0x2, s6;
	s3 =	sadd.s32 s7, s8  }
0x7: {  	[tilespmem:s2], [sflag:$0x2] =	stream.linear.gather [hbm4b:s3+s2], $0xA0, $0x38;
	[tilespmem:$0x200] =	vst v63  }
0x8: {  	s10 =	sshrl.u32 s9, $0x1;
	_ =	swait.ge [sflag:s4], $0xA0  }
0x9: {  	s6 =	simm.s32 $0x100;
	s31 =	ssub.s32 s9, s10;
	[sflag:s4] =	ssyncset.done $0x0  }
0xa: {  	s5 =	sadd.s32 s5, s8;
	s10 =	smax.u32 s31, $0x1;
	[sflag:s4] =	ssyncadd.s32 $0xFFFFFF60  }
0xb: {  	[tilespmem:s6], [sflag:$0x2] =	stream.linear.gather [hbm4b:s5+s2], $0xA0, $0x38;
	[tilespmem:$0x200] =	vst v63  }
0xc: {  	p0 =	sne.s32 s10, $0x1;
	_ =	swait.ge [sflag:s4], $0xA0  }
.Ltmp0:
0xd: {  	s9 =	simm.s32 $0xA0;
	[sflag:s4] =	ssyncset.done $0x0;
	(pc) =	sbr.rel @!p0 .LBB2_2-.Ltmp0, $4  }
0xe: {  	s7 =	sadd.s32 $0x400, s7;
	s8 =	simm.s32 $0x1;
	[sflag:s4] =	ssyncadd.s32 $0xFFFFFF60  }
0xf: {  	[hbm4b:s7+s9] =	stream.indirect.scatter [tilespmem:s6], [sflag:$0x1], $0x1, s2, s9, $0xb8;
	[tilespmem:$0x200] =	vst v63  }
0x10: {  	_ =	swait.ge [sflag:s8], $0xA0  }
0x11: {  	s10 =	sadd.s32 $0xFFFFFFFF, s10;
	[sflag:s8] =	ssyncset.done $0x0  }
.LBB2_1:
0x12: {  	p0 =	sne.s32 s10, $0x1;
	s10 =	sadd.s32 $0xFFFFFFFF, s10;
	[sflag:s8] =	ssyncadd.s32 $0xFFFFFF60  }
0x13: {  	[tilespmem:s2], [sflag:$0x2] =	stream.linear.gather [hbm4b:s3+s2], $0xA0, $0x38;
	[tilespmem:$0x200] =	vst v63  }
0x14: {  	_ =	swait.ge [sflag:s4], $0xA0  }
0x15: {  	[sflag:s4] =	ssyncset.done $0x0  }
0x16: {  	[sflag:s4] =	ssyncadd.s32 $0xFFFFFF60  }
0x17: {  	[tilespmem:s6], [sflag:$0x2] =	stream.linear.gather [hbm4b:s5+s2], $0xA0, $0x38;
	[tilespmem:$0x200] =	vst v63  }
0x18: {  	_ =	swait.ge [sflag:s4], $0xA0  }
.Ltmp1:
0x19: {  	[sflag:s4] =	ssyncset.done $0x0;
	(pc) =	sbr.rel @p0 .LBB2_1-.Ltmp1, $4  }
0x1a: {  	[sflag:s4] =	ssyncadd.s32 $0xFFFFFF60  }
0x1b: {  	[hbm4b:s7+s9] =	stream.indirect.scatter [tilespmem:s6], [sflag:$0x1], $0x1, s2, s9, $0xb8;
	[tilespmem:$0x200] =	vst v63  }
0x1c: {  	_ =	swait.ge [sflag:s8], $0xA0  }
0x1d: {  	[sflag:s8] =	ssyncset.done $0x0  }
.LBB2_2:
0x1e: {  	[sflag:s8] =	ssyncadd.s32 $0xFFFFFF60  }
0x1f: {  	_ =	sfence.sel $0x180000  }
0x20: {  	[bflag:$0x0] =	sbarrier.arrive $0xFFFF  }
0x21: {  	p0 =	sne.s32 s0, $0x0;
	_ =	strace $0x90000047  }
0x22: {  	s0 =	sadd.s32 @!p0 $0x100000, s1;
	[bflag:$0x2] =	sbarrier.arrive $0xFFFF  }
0x23: {  	[sflag:s0] =	ssyncadd.tile.s32 @!p0 $0x1;
	_ =	shalt  }
.Lfunc_end2:
_tile_overlayer_lowered:
.L_overlay_start_2:
0x24: {  	(tag) =	ssettag $0x2  }
0x25: {  	s0 =	rddreg [dreg:$0x0];
	s2 =	stileid.u32  }
0x26: {  	s1 =	rddreg [dreg:$0x1];
	p0 =	sne.s32 s2, $0x0  }
0x27: {  	s3 =	rddreg [dreg:$0x2];
	[bflag:$0x3] =	sbarrier.arrive $0xFFFF;
	s2 =	simm.s32 @!p0 $0x1C02  }
0x28: {  	[timem:s3], [sflag:s2] =	dma.local @!p0 [hbm:s0], s1  }
0x29: {  	s0 =	simm.s32 @!p0 $0x2  }
0x2a: {  	_ =	swait.ge @!p0 [sflag:s0], s1  }
0x2b: {  	s1 =	ssub.s32 @!p0 $0x0, s1;
	[sflag:s0] =	ssyncset.done @!p0 $0x0  }
0x2c: {  	[sflag:s0] =	ssyncadd.s32 @!p0 s1  }
0x2d: {  	[bflag:$0x3] =	sbarrier.arrive $0xFFFF  }
0x2e: {  	_ =	shalt  }

</sc_bundles>
